<compile_context>
chip_gen: v7x
topology: tpu7x:2x2x1
jax: 0.10.2.dev20260603
libtpu: 0.0.44.dev20260713+nightly
codegen_flags: <defaults>
</compile_context>

<pallas_src>
import functools

import jax
import jax.numpy as jnp
from jax import lax
from jax.experimental import pallas as pl
from jax.experimental.pallas import tpu as pltpu
from jax.experimental.pallas import tpu_sc as plsc

_N = 4096
_E = 4096
_C = 128
_H = 256
_THRESH = 0.996
_BLK = 256
_NB = _N // _BLK
_W = _N // 32


def _pack_bits(a_bool, rows):
    ai = a_bool.astype(jnp.int32)
    acc = jnp.zeros((rows, _W), jnp.int32)
    for b in range(32):
        acc = acc | (ai[:, b * _W:(b + 1) * _W] << b)
    return acc


def _build_a_body(adj_row_ref, adj_col_ref, a_bf_ref, a_bits_ref):
    i = pl.program_id(0)
    r = adj_row_ref[...] > _THRESH
    ct = jnp.transpose(adj_col_ref[...]) > _THRESH
    a = r | ct
    row_g = i * _BLK + lax.broadcasted_iota(jnp.int32, (_BLK, _N), 0)
    col_g = lax.broadcasted_iota(jnp.int32, (_BLK, _N), 1)
    a = a & (row_g != col_g)
    a_bf_ref[...] = a.astype(jnp.float8_e4m3fn)
    a_bits_ref[...] = _pack_bits(a, _BLK)


def _build_a(adj):
    return pl.pallas_call(
        _build_a_body,
        grid=(_NB,),
        in_specs=[
            pl.BlockSpec((_BLK, _N), lambda i: (i, 0)),
            pl.BlockSpec((_N, _BLK), lambda i: (0, i)),
        ],
        out_specs=[
            pl.BlockSpec((_BLK, _N), lambda i: (i, 0)),
            pl.BlockSpec((_BLK, _W), lambda i: (i, 0)),
        ],
        out_shape=[
            jax.ShapeDtypeStruct((_N, _N), jnp.float8_e4m3fn),
            jax.ShapeDtypeStruct((_N, _W), jnp.int32),
        ],
    )(adj, adj)


def _a2_body(panel_ref, full_ref, a2_bits_ref):
    i = pl.program_id(0)
    p = panel_ref[...]
    m = jnp.dot(p, full_ref[...], preferred_element_type=jnp.float32)
    row_g = i * _BLK + lax.broadcasted_iota(jnp.int32, (_BLK, _N), 0)
    col_g = lax.broadcasted_iota(jnp.int32, (_BLK, _N), 1)
    a2 = (m > 0.5) & (p.astype(jnp.float32) == 0) & (row_g != col_g)
    a2_bits_ref[...] = _pack_bits(a2, _BLK)


def _build_a2(a_bf):
    return pl.pallas_call(
        _a2_body,
        grid=(_NB,),
        in_specs=[
            pl.BlockSpec((_BLK, _N), lambda i: (i, 0)),
            pl.BlockSpec((_N, _N), lambda i: (0, 0)),
        ],
        out_specs=pl.BlockSpec((_BLK, _W), lambda i: (i, 0)),
        out_shape=jax.ShapeDtypeStruct((_N, _W), jnp.int32),
        compiler_params=pltpu.CompilerParams(
            vmem_limit_bytes=100 * 1024 * 1024),
    )(a_bf, a_bf)


def _gather_first(a_bits, x, src, dst):
    mesh = plsc.VectorSubcoreMesh(core_axis_name="c", subcore_axis_name="s")
    nw = 32
    bw = _E // nw

    @functools.partial(
        pl.kernel,
        mesh=mesh,
        out_type=[jax.ShapeDtypeStruct((_E, _W), jnp.int32)] * 2
        + [jax.ShapeDtypeStruct((_E, _C), jnp.float32)] * 2,
        scratch_types=[
            pltpu.VMEM((bw,), jnp.int32),
            pltpu.VMEM((bw,), jnp.int32),
            pltpu.VMEM((bw, _W), jnp.int32),
            pltpu.VMEM((bw, _C), jnp.float32),
            pltpu.SemaphoreType.DMA,
        ],
    )
    def k(ab_hbm, x_hbm, src_hbm, dst_hbm,
          au_o, av_o, xi_o, xj_o,
          idx_u, idx_v, bi, bf, sem):
        wid = lax.axis_index("s") * 2 + lax.axis_index("c")
        base = wid * bw
        pltpu.sync_copy(src_hbm.at[pl.ds(base, bw)], idx_u)
        pltpu.sync_copy(dst_hbm.at[pl.ds(base, bw)], idx_v)
        for table, idx, buf, out in (
            (ab_hbm, idx_u, bi, au_o),
            (ab_hbm, idx_v, bi, av_o),
            (x_hbm, idx_u, bf, xi_o),
            (x_hbm, idx_v, bf, xj_o),
        ):
            pltpu.async_copy(table.at[idx], buf, sem).wait()
            pltpu.sync_copy(buf, out.at[pl.ds(base, bw)])

    return k(a_bits, x, src, dst)


def _gather_second(a2_bits, src, dst):
    mesh = plsc.VectorSubcoreMesh(core_axis_name="c", subcore_axis_name="s")
    nw = 32
    bw = _E // nw

    @functools.partial(
        pl.kernel,
        mesh=mesh,
        out_type=[jax.ShapeDtypeStruct((_E, _W), jnp.int32)] * 2,
        scratch_types=[
            pltpu.VMEM((bw,), jnp.int32),
            pltpu.VMEM((bw,), jnp.int32),
            pltpu.VMEM((bw, _W), jnp.int32),
            pltpu.SemaphoreType.DMA,
        ],
    )
    def k(a2b_hbm, src_hbm, dst_hbm, a2u_o, a2v_o, idx_u, idx_v, bi, sem):
        wid = lax.axis_index("s") * 2 + lax.axis_index("c")
        base = wid * bw
        pltpu.sync_copy(src_hbm.at[pl.ds(base, bw)], idx_u)
        pltpu.sync_copy(dst_hbm.at[pl.ds(base, bw)], idx_v)
        for table, idx, buf, out in (
            (a2b_hbm, idx_u, bi, a2u_o),
            (a2b_hbm, idx_v, bi, a2v_o),
        ):
            pltpu.async_copy(table.at[idx], buf, sem).wait()
            pltpu.sync_copy(buf, out.at[pl.ds(base, bw)])

    return k(a2_bits, src, dst)


def _popcount(v):
    v = v - (lax.shift_right_logical(v, 1) & 0x55555555)
    v = (v & 0x33333333) + (lax.shift_right_logical(v, 2) & 0x33333333)
    v = (v + lax.shift_right_logical(v, 4)) & 0x0F0F0F0F
    v = v + lax.shift_right_logical(v, 8)
    v = v + lax.shift_right_logical(v, 16)
    return v & 0x3F


def _mlp_body(au_ref, av_ref, a2u_ref, a2v_ref, dstb_ref,
              xi_ref, xj_ref, w1a_ref, w1bp_ref,
              w2_ref, b2b_ref, w3b_ref, out_ref):
    au = au_ref[...]
    av = av_ref[...]
    a2u = a2u_ref[...]
    a2v = a2v_ref[...]

    def pcsum(v):
        return jnp.sum(_popcount(v).astype(jnp.float32), axis=1, keepdims=True)

    c11 = pcsum(au & av)
    c12 = pcsum(au & a2v) + pcsum(a2u & av)
    c22 = pcsum(a2u & a2v)
    degu = pcsum(au)
    degv = pcsum(av)
    deg2u = pcsum(a2u)
    deg2v = pcsum(a2v)

    dstv = dstb_ref[...]
    lane = lax.broadcasted_iota(jnp.int32, (_E, _W), 1)
    mask = jnp.where(lane == (dstv & 127),
                     lax.shift_left(jnp.ones_like(dstv),
                                    lax.shift_right_logical(dstv, 7)),
                     0)
    auv = jnp.sum(((au & mask) != 0).astype(jnp.float32), axis=1, keepdims=True)
    a2uv = jnp.sum(((a2u & mask) != 0).astype(jnp.float32), axis=1,
                   keepdims=True)

    f1 = c11
    f2 = c12
    f3 = degu + degv - 2.0 * auv - 2.0 * c11 - c12
    f4 = c22
    f5 = deg2u + deg2v - 2.0 * a2uv - 2.0 * c22 - c12
    one = jnp.ones_like(f1)
    pad = jnp.zeros_like(f1)
    z = jnp.concatenate([f1, f2, f3, f4, f5, one, pad, pad], axis=1)

    dn1 = (((1,), (1,)), ((), ()))
    xx = xi_ref[...] * xj_ref[...]
    h = lax.dot_general(xx, w1a_ref[...], dn1,
                        preferred_element_type=jnp.float32)
    h = h + lax.dot_general(z, w1bp_ref[...], (((1,), (0,)), ((), ())),
                            preferred_element_type=jnp.float32)
    h = jnp.maximum(h, 0.0)
    h = lax.dot_general(h, w2_ref[...], dn1,
                        preferred_element_type=jnp.float32)
    h = jnp.maximum(h + b2b_ref[...], 0.0)
    hb = h.astype(jnp.bfloat16).astype(jnp.float32)
    w3r = w3b_ref[...].astype(jnp.bfloat16).astype(jnp.float32)
    logit = jnp.sum(hb * w3r, axis=1, keepdims=True)
    pad2 = jnp.zeros_like(logit)
    out_ref[...] = jnp.concatenate([logit] + [pad2] * 7, axis=1)


def _mlp(au, av, a2u, a2v, dstb, xi, xj, w1a, w1bp, w2, b2b, w3b):
    return pl.pallas_call(
        _mlp_body,
        out_shape=jax.ShapeDtypeStruct((_E, 8), jnp.float32),
    )(au, av, a2u, a2v, dstb, xi, xj, w1a, w1bp, w2, b2b, w3b)


def kernel(x, adj, edges, W1, b1, W2, b2, W3, b3):
    src = edges[0]
    dst = edges[1]
    a_f8, a_bits = _build_a(adj)
    au, av, xi, xj = _gather_first(a_bits, x, src, dst)
    a2_bits = _build_a2(a_f8)
    a2u, a2v = _gather_second(a2_bits, src, dst)
    dstb = jnp.broadcast_to(dst[:, None], (_E, _W))
    w1a = W1[:, :_C]
    w1bp = jnp.concatenate(
        [jnp.transpose(W1[:, _C:]), b1[None, :],
         jnp.zeros((2, _H), jnp.float32)], axis=0)
    b2b = jnp.broadcast_to(b2[None, :], (_E, _H))
    w3b = jnp.broadcast_to(W3, (_E, _H))
    out = _mlp(au, av, a2u, a2v, dstb, xi, xj, w1a, w1bp, W2, b2b, w3b)
    return out[:, :1] + b3

# --- scband reference (transcript-rebuilt; emitter-appended) ---
"""Pipeline reference for scband-efficient-node-labelling-3599182594334 (READ-ONLY COPY).

The authoritative reference and input builder live on the scoring server;
editing this copy changes nothing except your own understanding.
"""

import jax, jax.numpy as jnp
import numpy as np

N = 4096
E = 4096
C = 128
H = 256
THRESH = 0.996  # ~16 avg degree after symmetrization


def setup_inputs(seed: int = 0) -> dict:
    key = jax.random.key(seed)
    ks = jax.random.split(key, 12)
    x = jax.random.normal(ks[0], (N, C), dtype=jnp.float32)
    adj = jax.random.uniform(ks[1], (N, N), dtype=jnp.float32)
    edges = jax.random.randint(ks[2], (2, E), 0, N, dtype=jnp.int32)
    d_in = C + 5
    W1 = jax.random.normal(ks[3], (H, d_in), dtype=jnp.float32) / np.sqrt(d_in)
    b1 = jnp.zeros((H,), dtype=jnp.float32)
    W2 = jax.random.normal(ks[4], (H, H), dtype=jnp.float32) / np.sqrt(H)
    b2 = jnp.zeros((H,), dtype=jnp.float32)
    W3 = jax.random.normal(ks[5], (1, H), dtype=jnp.float32) / np.sqrt(H)
    b3 = jnp.zeros((1,), dtype=jnp.float32)
    return {"x": x, "adj": adj, "edges": edges,
            "W1": W1, "b1": b1, "W2": W2, "b2": b2, "W3": W3, "b3": b3}


def reference(x, adj, edges, W1, b1, W2, b2, W3, b3):
    # binarize + symmetrize adjacency, drop self loops
    A = adj > THRESH
    A = A | A.T
    eye = jnp.eye(N, dtype=bool)
    A = A & (~eye)
    Af = A.astype(jnp.float32)
    # nodes at exactly 2 hops (de_plus_finder with num_hops=2)
    A2 = ((Af @ Af) > 0.5) & (~A) & (~eye)

    src = edges[0]
    dst = edges[1]
    col = jnp.arange(N)[None, :]
    # exclude the two focal nodes from every neighborhood
    notuv = (col != src[:, None]) & (col != dst[:, None])
    n1u = A[src] & notuv
    n1v = A[dst] & notuv
    n2u = A2[src] & notuv
    n2v = A2[dst] & notuv

    s = lambda m: jnp.sum(m, axis=1)  # per-target-edge scatter_add of ones
    c_1_1 = s(n1u & n1v)
    c_1_2 = s(n1u & n2v) + s(n2u & n1v)
    c_1_inf = s(n1u & (~n1v) & (~n2v)) + s(n1v & (~n1u) & (~n2u))
    c_2_2 = s(n2u & n2v)
    c_2_inf = s(n2u & (~n1v) & (~n2v)) + s(n2v & (~n1u) & (~n2u))

    out = jnp.stack([c_1_1, c_1_2, c_1_inf, c_2_2, c_2_inf], axis=1).astype(jnp.float32)

    x_i = x[src]
    x_j = x[dst]
    h = jnp.concatenate([x_i * x_j, out], axis=1)
    # lins[:-1] with relu (dropout inactive in eval)
    h = jax.nn.relu(h @ W1.T + b1)
    h = jax.nn.relu(h @ W2.T + b2)
    logit = h @ W3.T + b3
    return logit

if __name__ == "__main__":
    import jax
    _d = setup_inputs()
    print(jax.jit(kernel)(*tuple(_d.values())))

</pallas_src>

<mosaic_0001>
#map = affine_map<(d0, d1) -> (0, 0)>
#map1 = affine_map<(d0, d1) -> (0)>
module attributes {stable_mosaic.version = 14 : i64} {
  func.func @k(%arg0: i32, %arg1: i32, %arg2: memref<4096x128xi32, #tpu.memory_space<hbm>>, %arg3: memref<4096xi32, #tpu.memory_space<hbm>>, %arg4: memref<4096xi32, #tpu.memory_space<hbm>>, %arg5: memref<4096x128xi32, #tpu.memory_space<hbm>>, %arg6: memref<4096x128xi32, #tpu.memory_space<hbm>>, %arg7: memref<128xi32, #tpu.memory_space<vmem>>, %arg8: memref<128xi32, #tpu.memory_space<vmem>>, %arg9: memref<128x128xi32, #tpu.memory_space<vmem>>, %arg10: memref<!tpu.dma_semaphore, #tpu.memory_space<semaphore_mem>>) attributes {dimension_semantics = [#tpu.dimension_semantics<core_parallel>, #tpu.dimension_semantics<subcore_parallel>], iteration_bounds = array<i64: 2, 16>, scalar_prefetch = 0 : i64, scratch_operands = 4 : i64, tpu.core_type = #tpu.core_type<sc_vector_subcore>, window_params = [{transform_indices = #map}, {transform_indices = #map1}, {transform_indices = #map1}, {transform_indices = #map}, {transform_indices = #map}]} {
    %mul3A = arith.constant 2 : i32
    %mul3A_0 = arith.muli %arg1, %mul3A : i32
    %add3A = arith.addi %mul3A_0, %arg0 : i32
    %mul3A_1 = arith.constant 128 : i32
    %mul3A_2 = arith.muli %add3A, %mul3A_1 : i32
    "tpu.region"() ({
      %run_scoped3A = tpu.sem_alloc : memref<!tpu.dma_semaphore, #tpu.memory_space<semaphore_mem>>
      %dma_start3A_13 = tpu.memref_slice %arg3[%mul3A_2] : memref<4096xi32, #tpu.memory_space<hbm>> -> memref<128xi32, #tpu.memory_space<hbm>>
      %dma_start3A_14 = tpu.memref_slice %arg3[%mul3A_2] : memref<4096xi32, #tpu.memory_space<hbm>> -> memref<128xi32, #tpu.memory_space<hbm>>
      tpu.enqueue_dma source(%dma_start3A_14 : memref<128xi32, #tpu.memory_space<hbm>>) target(%arg7 : memref<128xi32, #tpu.memory_space<vmem>>) target_semaphore(%run_scoped3A : memref<!tpu.dma_semaphore, #tpu.memory_space<semaphore_mem>>)
      %dma_wait3A_15 = tpu.memref_slice %arg3[%mul3A_2] : memref<4096xi32, #tpu.memory_space<hbm>> -> memref<128xi32, #tpu.memory_space<hbm>>
      %dma_wait3A_16 = tpu.memref_slice %arg3[%mul3A_2] : memref<4096xi32, #tpu.memory_space<hbm>> -> memref<128xi32, #tpu.memory_space<hbm>>
      tpu.wait_dma2 semaphore(%run_scoped3A : memref<!tpu.dma_semaphore, #tpu.memory_space<semaphore_mem>>) src(%dma_wait3A_16 : memref<128xi32, #tpu.memory_space<hbm>>) dst(%arg7 : memref<128xi32, #tpu.memory_space<vmem>>)
      tpu.yield
    }) : () -> ()
    "tpu.region"() ({
      %run_scoped3A = tpu.sem_alloc : memref<!tpu.dma_semaphore, #tpu.memory_space<semaphore_mem>>
      %dma_start3A_13 = tpu.memref_slice %arg4[%mul3A_2] : memref<4096xi32, #tpu.memory_space<hbm>> -> memref<128xi32, #tpu.memory_space<hbm>>
      %dma_start3A_14 = tpu.memref_slice %arg4[%mul3A_2] : memref<4096xi32, #tpu.memory_space<hbm>> -> memref<128xi32, #tpu.memory_space<hbm>>
      tpu.enqueue_dma source(%dma_start3A_14 : memref<128xi32, #tpu.memory_space<hbm>>) target(%arg8 : memref<128xi32, #tpu.memory_space<vmem>>) target_semaphore(%run_scoped3A : memref<!tpu.dma_semaphore, #tpu.memory_space<semaphore_mem>>)
      %dma_wait3A_15 = tpu.memref_slice %arg4[%mul3A_2] : memref<4096xi32, #tpu.memory_space<hbm>> -> memref<128xi32, #tpu.memory_space<hbm>>
      %dma_wait3A_16 = tpu.memref_slice %arg4[%mul3A_2] : memref<4096xi32, #tpu.memory_space<hbm>> -> memref<128xi32, #tpu.memory_space<hbm>>
      tpu.wait_dma2 semaphore(%run_scoped3A : memref<!tpu.dma_semaphore, #tpu.memory_space<semaphore_mem>>) src(%dma_wait3A_16 : memref<128xi32, #tpu.memory_space<hbm>>) dst(%arg8 : memref<128xi32, #tpu.memory_space<vmem>>)
      tpu.yield
    }) : () -> ()
    %dma_start3A = arith.constant 0 : i32
    %dma_start3A_3 = arith.constant 0 : i32
    %dma_start3A_4 = tpu.memref_slice %arg2[%dma_start3A, %dma_start3A_3] : memref<4096x128xi32, #tpu.memory_space<hbm>> -> memref<4096x128xi32, #tpu.memory_space<hbm>>
    tpu.enqueue_indirect_dma source(%dma_start3A_4 : memref<4096x128xi32, #tpu.memory_space<hbm>>) target(%arg9 : memref<128x128xi32, #tpu.memory_space<vmem>>) offsets(%arg7 : memref<128xi32, #tpu.memory_space<vmem>>) semaphore(%arg10 : memref<!tpu.dma_semaphore, #tpu.memory_space<semaphore_mem>>)
    %dma_wait3A = arith.constant 0 : i32
    %dma_wait3A_5 = arith.constant 0 : i32
    %dma_wait3A_6 = tpu.memref_slice %arg2[%dma_wait3A, %dma_wait3A_5] : memref<4096x128xi32, #tpu.memory_space<hbm>> -> memref<4096x128xi32, #tpu.memory_space<hbm>>
    tpu.wait_indirect_dma semaphore(%arg10 : memref<!tpu.dma_semaphore, #tpu.memory_space<semaphore_mem>>) src(%dma_wait3A_6 : memref<4096x128xi32, #tpu.memory_space<hbm>>) dst(%arg9 : memref<128x128xi32, #tpu.memory_space<vmem>>)
    "tpu.region"() ({
      %run_scoped3A = tpu.sem_alloc : memref<!tpu.dma_semaphore, #tpu.memory_space<semaphore_mem>>
      %dma_start3A_13 = arith.constant 0 : i32
      %dma_start3A_14 = tpu.memref_slice %arg5[%mul3A_2, %dma_start3A_13] : memref<4096x128xi32, #tpu.memory_space<hbm>> -> memref<128x128xi32, #tpu.memory_space<hbm>>
      %dma_start3A_15 = arith.constant 0 : i32
      %dma_start3A_16 = tpu.memref_slice %arg5[%mul3A_2, %dma_start3A_15] : memref<4096x128xi32, #tpu.memory_space<hbm>> -> memref<128x128xi32, #tpu.memory_space<hbm>>
      tpu.enqueue_dma source(%arg9 : memref<128x128xi32, #tpu.memory_space<vmem>>) target(%dma_start3A_16 : memref<128x128xi32, #tpu.memory_space<hbm>>) target_semaphore(%run_scoped3A : memref<!tpu.dma_semaphore, #tpu.memory_space<semaphore_mem>>)
      %dma_wait3A_17 = arith.constant 0 : i32
      %dma_wait3A_18 = tpu.memref_slice %arg5[%mul3A_2, %dma_wait3A_17] : memref<4096x128xi32, #tpu.memory_space<hbm>> -> memref<128x128xi32, #tpu.memory_space<hbm>>
      %dma_wait3A_19 = arith.constant 0 : i32
      %dma_wait3A_20 = tpu.memref_slice %arg5[%mul3A_2, %dma_wait3A_19] : memref<4096x128xi32, #tpu.memory_space<hbm>> -> memref<128x128xi32, #tpu.memory_space<hbm>>
      tpu.wait_dma2 semaphore(%run_scoped3A : memref<!tpu.dma_semaphore, #tpu.memory_space<semaphore_mem>>) src(%arg9 : memref<128x128xi32, #tpu.memory_space<vmem>>) dst(%dma_wait3A_20 : memref<128x128xi32, #tpu.memory_space<hbm>>)
      tpu.yield
    }) : () -> ()
    %dma_start3A_7 = arith.constant 0 : i32
    %dma_start3A_8 = arith.constant 0 : i32
    %dma_start3A_9 = tpu.memref_slice %arg2[%dma_start3A_7, %dma_start3A_8] : memref<4096x128xi32, #tpu.memory_space<hbm>> -> memref<4096x128xi32, #tpu.memory_space<hbm>>
    tpu.enqueue_indirect_dma source(%dma_start3A_9 : memref<4096x128xi32, #tpu.memory_space<hbm>>) target(%arg9 : memref<128x128xi32, #tpu.memory_space<vmem>>) offsets(%arg8 : memref<128xi32, #tpu.memory_space<vmem>>) semaphore(%arg10 : memref<!tpu.dma_semaphore, #tpu.memory_space<semaphore_mem>>)
    %dma_wait3A_10 = arith.constant 0 : i32
    %dma_wait3A_11 = arith.constant 0 : i32
    %dma_wait3A_12 = tpu.memref_slice %arg2[%dma_wait3A_10, %dma_wait3A_11] : memref<4096x128xi32, #tpu.memory_space<hbm>> -> memref<4096x128xi32, #tpu.memory_space<hbm>>
    tpu.wait_indirect_dma semaphore(%arg10 : memref<!tpu.dma_semaphore, #tpu.memory_space<semaphore_mem>>) src(%dma_wait3A_12 : memref<4096x128xi32, #tpu.memory_space<hbm>>) dst(%arg9 : memref<128x128xi32, #tpu.memory_space<vmem>>)
    "tpu.region"() ({
      %run_scoped3A = tpu.sem_alloc : memref<!tpu.dma_semaphore, #tpu.memory_space<semaphore_mem>>
      %dma_start3A_13 = arith.constant 0 : i32
      %dma_start3A_14 = tpu.memref_slice %arg6[%mul3A_2, %dma_start3A_13] : memref<4096x128xi32, #tpu.memory_space<hbm>> -> memref<128x128xi32, #tpu.memory_space<hbm>>
      %dma_start3A_15 = arith.constant 0 : i32
      %dma_start3A_16 = tpu.memref_slice %arg6[%mul3A_2, %dma_start3A_15] : memref<4096x128xi32, #tpu.memory_space<hbm>> -> memref<128x128xi32, #tpu.memory_space<hbm>>
      tpu.enqueue_dma source(%arg9 : memref<128x128xi32, #tpu.memory_space<vmem>>) target(%dma_start3A_16 : memref<128x128xi32, #tpu.memory_space<hbm>>) target_semaphore(%run_scoped3A : memref<!tpu.dma_semaphore, #tpu.memory_space<semaphore_mem>>)
      %dma_wait3A_17 = arith.constant 0 : i32
      %dma_wait3A_18 = tpu.memref_slice %arg6[%mul3A_2, %dma_wait3A_17] : memref<4096x128xi32, #tpu.memory_space<hbm>> -> memref<128x128xi32, #tpu.memory_space<hbm>>
      %dma_wait3A_19 = arith.constant 0 : i32
      %dma_wait3A_20 = tpu.memref_slice %arg6[%mul3A_2, %dma_wait3A_19] : memref<4096x128xi32, #tpu.memory_space<hbm>> -> memref<128x128xi32, #tpu.memory_space<hbm>>
      tpu.wait_dma2 semaphore(%run_scoped3A : memref<!tpu.dma_semaphore, #tpu.memory_space<semaphore_mem>>) src(%arg9 : memref<128x128xi32, #tpu.memory_space<vmem>>) dst(%dma_wait3A_20 : memref<128x128xi32, #tpu.memory_space<hbm>>)
      tpu.yield
    }) : () -> ()
    return
  }
}

#map = affine_map<(d0, d1) -> (0, 0)>
#map1 = affine_map<(d0, d1) -> (0)>
module attributes {stable_mosaic.version = 14 : i64} {
  func.func @k(%arg0: i32, %arg1: i32, %arg2: memref<4096x128xi32, #tpu.memory_space<hbm>>, %arg3: memref<4096x128xf32, #tpu.memory_space<hbm>>, %arg4: memref<4096xi32, #tpu.memory_space<hbm>>, %arg5: memref<4096xi32, #tpu.memory_space<hbm>>, %arg6: memref<4096x128xi32, #tpu.memory_space<hbm>>, %arg7: memref<4096x128xi32, #tpu.memory_space<hbm>>, %arg8: memref<4096x128xf32, #tpu.memory_space<hbm>>, %arg9: memref<4096x128xf32, #tpu.memory_space<hbm>>, %arg10: memref<128xi32, #tpu.memory_space<vmem>>, %arg11: memref<128xi32, #tpu.memory_space<vmem>>, %arg12: memref<128x128xi32, #tpu.memory_space<vmem>>, %arg13: memref<128x128xf32, #tpu.memory_space<vmem>>, %arg14: memref<!tpu.dma_semaphore, #tpu.memory_space<semaphore_mem>>) attributes {dimension_semantics = [#tpu.dimension_semantics<core_parallel>, #tpu.dimension_semantics<subcore_parallel>], iteration_bounds = array<i64: 2, 16>, scalar_prefetch = 0 : i64, scratch_operands = 5 : i64, tpu.core_type = #tpu.core_type<sc_vector_subcore>, window_params = [{transform_indices = #map}, {transform_indices = #map}, {transform_indices = #map1}, {transform_indices = #map1}, {transform_indices = #map}, {transform_indices = #map}, {transform_indices = #map}, {transform_indices = #map}]} {
    %mul3A = arith.constant 2 : i32
    %mul3A_0 = arith.muli %arg1, %mul3A : i32
    %add3A = arith.addi %mul3A_0, %arg0 : i32
    %mul3A_1 = arith.constant 128 : i32
    %mul3A_2 = arith.muli %add3A, %mul3A_1 : i32
    "tpu.region"() ({
      %run_scoped3A = tpu.sem_alloc : memref<!tpu.dma_semaphore, #tpu.memory_space<semaphore_mem>>
      %dma_start3A_25 = tpu.memref_slice %arg4[%mul3A_2] : memref<4096xi32, #tpu.memory_space<hbm>> -> memref<128xi32, #tpu.memory_space<hbm>>
      %dma_start3A_26 = tpu.memref_slice %arg4[%mul3A_2] : memref<4096xi32, #tpu.memory_space<hbm>> -> memref<128xi32, #tpu.memory_space<hbm>>
      tpu.enqueue_dma source(%dma_start3A_26 : memref<128xi32, #tpu.memory_space<hbm>>) target(%arg10 : memref<128xi32, #tpu.memory_space<vmem>>) target_semaphore(%run_scoped3A : memref<!tpu.dma_semaphore, #tpu.memory_space<semaphore_mem>>)
      %dma_wait3A_27 = tpu.memref_slice %arg4[%mul3A_2] : memref<4096xi32, #tpu.memory_space<hbm>> -> memref<128xi32, #tpu.memory_space<hbm>>
      %dma_wait3A_28 = tpu.memref_slice %arg4[%mul3A_2] : memref<4096xi32, #tpu.memory_space<hbm>> -> memref<128xi32, #tpu.memory_space<hbm>>
      tpu.wait_dma2 semaphore(%run_scoped3A : memref<!tpu.dma_semaphore, #tpu.memory_space<semaphore_mem>>) src(%dma_wait3A_28 : memref<128xi32, #tpu.memory_space<hbm>>) dst(%arg10 : memref<128xi32, #tpu.memory_space<vmem>>)
      tpu.yield
    }) : () -> ()
    "tpu.region"() ({
      %run_scoped3A = tpu.sem_alloc : memref<!tpu.dma_semaphore, #tpu.memory_space<semaphore_mem>>
      %dma_start3A_25 = tpu.memref_slice %arg5[%mul3A_2] : memref<4096xi32, #tpu.memory_space<hbm>> -> memref<128xi32, #tpu.memory_space<hbm>>
      %dma_start3A_26 = tpu.memref_slice %arg5[%mul3A_2] : memref<4096xi32, #tpu.memory_space<hbm>> -> memref<128xi32, #tpu.memory_space<hbm>>
      tpu.enqueue_dma source(%dma_start3A_26 : memref<128xi32, #tpu.memory_space<hbm>>) target(%arg11 : memref<128xi32, #tpu.memory_space<vmem>>) target_semaphore(%run_scoped3A : memref<!tpu.dma_semaphore, #tpu.memory_space<semaphore_mem>>)
      %dma_wait3A_27 = tpu.memref_slice %arg5[%mul3A_2] : memref<4096xi32, #tpu.memory_space<hbm>> -> memref<128xi32, #tpu.memory_space<hbm>>
      %dma_wait3A_28 = tpu.memref_slice %arg5[%mul3A_2] : memref<4096xi32, #tpu.memory_space<hbm>> -> memref<128xi32, #tpu.memory_space<hbm>>
      tpu.wait_dma2 semaphore(%run_scoped3A : memref<!tpu.dma_semaphore, #tpu.memory_space<semaphore_mem>>) src(%dma_wait3A_28 : memref<128xi32, #tpu.memory_space<hbm>>) dst(%arg11 : memref<128xi32, #tpu.memory_space<vmem>>)
      tpu.yield
    }) : () -> ()
    %dma_start3A = arith.constant 0 : i32
    %dma_start3A_3 = arith.constant 0 : i32
    %dma_start3A_4 = tpu.memref_slice %arg2[%dma_start3A, %dma_start3A_3] : memref<4096x128xi32, #tpu.memory_space<hbm>> -> memref<4096x128xi32, #tpu.memory_space<hbm>>
    tpu.enqueue_indirect_dma source(%dma_start3A_4 : memref<4096x128xi32, #tpu.memory_space<hbm>>) target(%arg12 : memref<128x128xi32, #tpu.memory_space<vmem>>) offsets(%arg10 : memref<128xi32, #tpu.memory_space<vmem>>) semaphore(%arg14 : memref<!tpu.dma_semaphore, #tpu.memory_space<semaphore_mem>>)
    %dma_wait3A = arith.constant 0 : i32
    %dma_wait3A_5 = arith.constant 0 : i32
    %dma_wait3A_6 = tpu.memref_slice %arg2[%dma_wait3A, %dma_wait3A_5] : memref<4096x128xi32, #tpu.memory_space<hbm>> -> memref<4096x128xi32, #tpu.memory_space<hbm>>
    tpu.wait_indirect_dma semaphore(%arg14 : memref<!tpu.dma_semaphore, #tpu.memory_space<semaphore_mem>>) src(%dma_wait3A_6 : memref<4096x128xi32, #tpu.memory_space<hbm>>) dst(%arg12 : memref<128x128xi32, #tpu.memory_space<vmem>>)
    "tpu.region"() ({
      %run_scoped3A = tpu.sem_alloc : memref<!tpu.dma_semaphore, #tpu.memory_space<semaphore_mem>>
      %dma_start3A_25 = arith.constant 0 : i32
      %dma_start3A_26 = tpu.memref_slice %arg6[%mul3A_2, %dma_start3A_25] : memref<4096x128xi32, #tpu.memory_space<hbm>> -> memref<128x128xi32, #tpu.memory_space<hbm>>
      %dma_start3A_27 = arith.constant 0 : i32
      %dma_start3A_28 = tpu.memref_slice %arg6[%mul3A_2, %dma_start3A_27] : memref<4096x128xi32, #tpu.memory_space<hbm>> -> memref<128x128xi32, #tpu.memory_space<hbm>>
      tpu.enqueue_dma source(%arg12 : memref<128x128xi32, #tpu.memory_space<vmem>>) target(%dma_start3A_28 : memref<128x128xi32, #tpu.memory_space<hbm>>) target_semaphore(%run_scoped3A : memref<!tpu.dma_semaphore, #tpu.memory_space<semaphore_mem>>)
      %dma_wait3A_29 = arith.constant 0 : i32
      %dma_wait3A_30 = tpu.memref_slice %arg6[%mul3A_2, %dma_wait3A_29] : memref<4096x128xi32, #tpu.memory_space<hbm>> -> memref<128x128xi32, #tpu.memory_space<hbm>>
      %dma_wait3A_31 = arith.constant 0 : i32
      %dma_wait3A_32 = tpu.memref_slice %arg6[%mul3A_2, %dma_wait3A_31] : memref<4096x128xi32, #tpu.memory_space<hbm>> -> memref<128x128xi32, #tpu.memory_space<hbm>>
      tpu.wait_dma2 semaphore(%run_scoped3A : memref<!tpu.dma_semaphore, #tpu.memory_space<semaphore_mem>>) src(%arg12 : memref<128x128xi32, #tpu.memory_space<vmem>>) dst(%dma_wait3A_32 : memref<128x128xi32, #tpu.memory_space<hbm>>)
      tpu.yield
    }) : () -> ()
    %dma_start3A_7 = arith.constant 0 : i32
    %dma_start3A_8 = arith.constant 0 : i32
    %dma_start3A_9 = tpu.memref_slice %arg2[%dma_start3A_7, %dma_start3A_8] : memref<4096x128xi32, #tpu.memory_space<hbm>> -> memref<4096x128xi32, #tpu.memory_space<hbm>>
    tpu.enqueue_indirect_dma source(%dma_start3A_9 : memref<4096x128xi32, #tpu.memory_space<hbm>>) target(%arg12 : memref<128x128xi32, #tpu.memory_space<vmem>>) offsets(%arg11 : memref<128xi32, #tpu.memory_space<vmem>>) semaphore(%arg14 : memref<!tpu.dma_semaphore, #tpu.memory_space<semaphore_mem>>)
    %dma_wait3A_10 = arith.constant 0 : i32
    %dma_wait3A_11 = arith.constant 0 : i32
    %dma_wait3A_12 = tpu.memref_slice %arg2[%dma_wait3A_10, %dma_wait3A_11] : memref<4096x128xi32, #tpu.memory_space<hbm>> -> memref<4096x128xi32, #tpu.memory_space<hbm>>
    tpu.wait_indirect_dma semaphore(%arg14 : memref<!tpu.dma_semaphore, #tpu.memory_space<semaphore_mem>>) src(%dma_wait3A_12 : memref<4096x128xi32, #tpu.memory_space<hbm>>) dst(%arg12 : memref<128x128xi32, #tpu.memory_space<vmem>>)
    "tpu.region"() ({
      %run_scoped3A = tpu.sem_alloc : memref<!tpu.dma_semaphore, #tpu.memory_space<semaphore_mem>>
      %dma_start3A_25 = arith.constant 0 : i32
      %dma_start3A_26 = tpu.memref_slice %arg7[%mul3A_2, %dma_start3A_25] : memref<4096x128xi32, #tpu.memory_space<hbm>> -> memref<128x128xi32, #tpu.memory_space<hbm>>
      %dma_start3A_27 = arith.constant 0 : i32
      %dma_start3A_28 = tpu.memref_slice %arg7[%mul3A_2, %dma_start3A_27] : memref<4096x128xi32, #tpu.memory_space<hbm>> -> memref<128x128xi32, #tpu.memory_space<hbm>>
      tpu.enqueue_dma source(%arg12 : memref<128x128xi32, #tpu.memory_space<vmem>>) target(%dma_start3A_28 : memref<128x128xi32, #tpu.memory_space<hbm>>) target_semaphore(%run_scoped3A : memref<!tpu.dma_semaphore, #tpu.memory_space<semaphore_mem>>)
      %dma_wait3A_29 = arith.constant 0 : i32
      %dma_wait3A_30 = tpu.memref_slice %arg7[%mul3A_2, %dma_wait3A_29] : memref<4096x128xi32, #tpu.memory_space<hbm>> -> memref<128x128xi32, #tpu.memory_space<hbm>>
      %dma_wait3A_31 = arith.constant 0 : i32
      %dma_wait3A_32 = tpu.memref_slice %arg7[%mul3A_2, %dma_wait3A_31] : memref<4096x128xi32, #tpu.memory_space<hbm>> -> memref<128x128xi32, #tpu.memory_space<hbm>>
      tpu.wait_dma2 semaphore(%run_scoped3A : memref<!tpu.dma_semaphore, #tpu.memory_space<semaphore_mem>>) src(%arg12 : memref<128x128xi32, #tpu.memory_space<vmem>>) dst(%dma_wait3A_32 : memref<128x128xi32, #tpu.memory_space<hbm>>)
      tpu.yield
    }) : () -> ()
    %dma_start3A_13 = arith.constant 0 : i32
    %dma_start3A_14 = arith.constant 0 : i32
    %dma_start3A_15 = tpu.memref_slice %arg3[%dma_start3A_13, %dma_start3A_14] : memref<4096x128xf32, #tpu.memory_space<hbm>> -> memref<4096x128xf32, #tpu.memory_space<hbm>>
    tpu.enqueue_indirect_dma source(%dma_start3A_15 : memref<4096x128xf32, #tpu.memory_space<hbm>>) target(%arg13 : memref<128x128xf32, #tpu.memory_space<vmem>>) offsets(%arg10 : memref<128xi32, #tpu.memory_space<vmem>>) semaphore(%arg14 : memref<!tpu.dma_semaphore, #tpu.memory_space<semaphore_mem>>)
    %dma_wait3A_16 = arith.constant 0 : i32
    %dma_wait3A_17 = arith.constant 0 : i32
    %dma_wait3A_18 = tpu.memref_slice %arg3[%dma_wait3A_16, %dma_wait3A_17] : memref<4096x128xf32, #tpu.memory_space<hbm>> -> memref<4096x128xf32, #tpu.memory_space<hbm>>
    tpu.wait_indirect_dma semaphore(%arg14 : memref<!tpu.dma_semaphore, #tpu.memory_space<semaphore_mem>>) src(%dma_wait3A_18 : memref<4096x128xf32, #tpu.memory_space<hbm>>) dst(%arg13 : memref<128x128xf32, #tpu.memory_space<vmem>>)
    "tpu.region"() ({
      %run_scoped3A = tpu.sem_alloc : memref<!tpu.dma_semaphore, #tpu.memory_space<semaphore_mem>>
      %dma_start3A_25 = arith.constant 0 : i32
      %dma_start3A_26 = tpu.memref_slice %arg8[%mul3A_2, %dma_start3A_25] : memref<4096x128xf32, #tpu.memory_space<hbm>> -> memref<128x128xf32, #tpu.memory_space<hbm>>
      %dma_start3A_27 = arith.constant 0 : i32
      %dma_start3A_28 = tpu.memref_slice %arg8[%mul3A_2, %dma_start3A_27] : memref<4096x128xf32, #tpu.memory_space<hbm>> -> memref<128x128xf32, #tpu.memory_space<hbm>>
      tpu.enqueue_dma source(%arg13 : memref<128x128xf32, #tpu.memory_space<vmem>>) target(%dma_start3A_28 : memref<128x128xf32, #tpu.memory_space<hbm>>) target_semaphore(%run_scoped3A : memref<!tpu.dma_semaphore, #tpu.memory_space<semaphore_mem>>)
      %dma_wait3A_29 = arith.constant 0 : i32
      %dma_wait3A_30 = tpu.memref_slice %arg8[%mul3A_2, %dma_wait3A_29] : memref<4096x128xf32, #tpu.memory_space<hbm>> -> memref<128x128xf32, #tpu.memory_space<hbm>>
      %dma_wait3A_31 = arith.constant 0 : i32
      %dma_wait3A_32 = tpu.memref_slice %arg8[%mul3A_2, %dma_wait3A_31] : memref<4096x128xf32, #tpu.memory_space<hbm>> -> memref<128x128xf32, #tpu.memory_space<hbm>>
      tpu.wait_dma2 semaphore(%run_scoped3A : memref<!tpu.dma_semaphore, #tpu.memory_space<semaphore_mem>>) src(%arg13 : memref<128x128xf32, #tpu.memory_space<vmem>>) dst(%dma_wait3A_32 : memref<128x128xf32, #tpu.memory_space<hbm>>)
      tpu.yield
    }) : () -> ()
    %dma_start3A_19 = arith.constant 0 : i32
    %dma_start3A_20 = arith.constant 0 : i32
    %dma_start3A_21 = tpu.memref_slice %arg3[%dma_start3A_19, %dma_start3A_20] : memref<4096x128xf32, #tpu.memory_space<hbm>> -> memref<4096x128xf32, #tpu.memory_space<hbm>>
    tpu.enqueue_indirect_dma source(%dma_start3A_21 : memref<4096x128xf32, #tpu.memory_space<hbm>>) target(%arg13 : memref<128x128xf32, #tpu.memory_space<vmem>>) offsets(%arg11 : memref<128xi32, #tpu.memory_space<vmem>>) semaphore(%arg14 : memref<!tpu.dma_semaphore, #tpu.memory_space<semaphore_mem>>)
    %dma_wait3A_22 = arith.constant 0 : i32
    %dma_wait3A_23 = arith.constant 0 : i32
    %dma_wait3A_24 = tpu.memref_slice %arg3[%dma_wait3A_22, %dma_wait3A_23] : memref<4096x128xf32, #tpu.memory_space<hbm>> -> memref<4096x128xf32, #tpu.memory_space<hbm>>
    tpu.wait_indirect_dma semaphore(%arg14 : memref<!tpu.dma_semaphore, #tpu.memory_space<semaphore_mem>>) src(%dma_wait3A_24 : memref<4096x128xf32, #tpu.memory_space<hbm>>) dst(%arg13 : memref<128x128xf32, #tpu.memory_space<vmem>>)
    "tpu.region"() ({
      %run_scoped3A = tpu.sem_alloc : memref<!tpu.dma_semaphore, #tpu.memory_space<semaphore_mem>>
      %dma_start3A_25 = arith.constant 0 : i32
      %dma_start3A_26 = tpu.memref_slice %arg9[%mul3A_2, %dma_start3A_25] : memref<4096x128xf32, #tpu.memory_space<hbm>> -> memref<128x128xf32, #tpu.memory_space<hbm>>
      %dma_start3A_27 = arith.constant 0 : i32
      %dma_start3A_28 = tpu.memref_slice %arg9[%mul3A_2, %dma_start3A_27] : memref<4096x128xf32, #tpu.memory_space<hbm>> -> memref<128x128xf32, #tpu.memory_space<hbm>>
      tpu.enqueue_dma source(%arg13 : memref<128x128xf32, #tpu.memory_space<vmem>>) target(%dma_start3A_28 : memref<128x128xf32, #tpu.memory_space<hbm>>) target_semaphore(%run_scoped3A : memref<!tpu.dma_semaphore, #tpu.memory_space<semaphore_mem>>)
      %dma_wait3A_29 = arith.constant 0 : i32
      %dma_wait3A_30 = tpu.memref_slice %arg9[%mul3A_2, %dma_wait3A_29] : memref<4096x128xf32, #tpu.memory_space<hbm>> -> memref<128x128xf32, #tpu.memory_space<hbm>>
      %dma_wait3A_31 = arith.constant 0 : i32
      %dma_wait3A_32 = tpu.memref_slice %arg9[%mul3A_2, %dma_wait3A_31] : memref<4096x128xf32, #tpu.memory_space<hbm>> -> memref<128x128xf32, #tpu.memory_space<hbm>>
      tpu.wait_dma2 semaphore(%run_scoped3A : memref<!tpu.dma_semaphore, #tpu.memory_space<semaphore_mem>>) src(%arg13 : memref<128x128xf32, #tpu.memory_space<vmem>>) dst(%dma_wait3A_32 : memref<128x128xf32, #tpu.memory_space<hbm>>)
      tpu.yield
    }) : () -> ()
    return
  }
}

module attributes {stable_mosaic.version = 14 : i64} {
  func.func @_build_a_body(%arg0: i32, %arg1: memref<256x4096xf32, #tpu.memory_space<vmem>>, %arg2: memref<4096x256xf32, #tpu.memory_space<vmem>>, %arg3: memref<256x4096xf8E4M3FN, #tpu.memory_space<vmem>>, %arg4: memref<256x128xi32, #tpu.memory_space<vmem>>) attributes {dimension_semantics = [#tpu.dimension_semantics<arbitrary>], iteration_bounds = array<i64: 16>, scalar_prefetch = 0 : i64, scratch_operands = 0 : i64, tpu.core_type = #tpu.core_type<tc>, window_params = [{transform_indices = @transform_0, window_bounds = array<i64: 256, 4096>}, {transform_indices = @transform_1, window_bounds = array<i64: 4096, 256>}, {transform_indices = @transform_2, window_bounds = array<i64: 256, 4096>}, {transform_indices = @transform_3, window_bounds = array<i64: 256, 128>}]} {
    %get3A = arith.constant 0 : index
    %get3A_0 = arith.constant 0 : index
    %get3A_1 = vector.load %arg1[%get3A, %get3A_0] : memref<256x4096xf32, #tpu.memory_space<vmem>>, vector<256x4096xf32>
    %gt3A = arith.constant 0.995999991 : f32
    %gt3A_2 = vector.broadcast %gt3A : f32 to vector<256x4096xf32>
    %gt3A_3 = arith.cmpf ogt, %get3A_1, %gt3A_2 : vector<256x4096xf32>
    %get3A_4 = arith.constant 0 : index
    %get3A_5 = arith.constant 0 : index
    %get3A_6 = vector.load %arg2[%get3A_4, %get3A_5] : memref<4096x256xf32, #tpu.memory_space<vmem>>, vector<4096x256xf32>
    %transpose3A = tpu.transpose %get3A_6, [1, 0] : vector<4096x256xf32> -> vector<256x4096xf32>
    %gt3A_7 = arith.constant 0.995999991 : f32
    %gt3A_8 = vector.broadcast %gt3A_7 : f32 to vector<256x4096xf32>
    %gt3A_9 = arith.cmpf ogt, %transpose3A, %gt3A_8 : vector<256x4096xf32>
    %or3A = arith.ori %gt3A_3, %gt3A_9 : vector<256x4096xi1>
    %mul3A = arith.constant 256 : i32
    %mul3A_10 = arith.muli %arg0, %mul3A : i32
    %iota3A = tpu.iota {dimensions = array<i32: 0>} : vector<256x4096xi32>
    %add3A = vector.broadcast %mul3A_10 : i32 to vector<256x4096xi32>
    %add3A_11 = arith.addi %add3A, %iota3A : vector<256x4096xi32>
    %iota3A_12 = tpu.iota {dimensions = array<i32: 1>} : vector<256x4096xi32>
    %ne3A = arith.cmpi ne, %add3A_11, %iota3A_12 : vector<256x4096xi32>
    %and3A = arith.andi %or3A, %ne3A : vector<256x4096xi1>
    %convert_element_type3A = arith.extui %and3A : vector<256x4096xi1> to vector<256x4096xi32>
    %convert_element_type3A_13 = arith.sitofp %convert_element_type3A : vector<256x4096xi32> to vector<256x4096xf32>
    %convert_element_type3A_14 = arith.truncf %convert_element_type3A_13 : vector<256x4096xf32> to vector<256x4096xf8E4M3FN>
    %swap3A = arith.constant 0 : index
    %swap3A_15 = arith.constant 0 : index
    %swap3A_16 = vector.load %arg3[%swap3A, %swap3A_15] : memref<256x4096xf8E4M3FN, #tpu.memory_space<vmem>>, vector<256x4096xf8E4M3FN>
    tpu.vector_store %arg3[%swap3A, %swap3A_15], %convert_element_type3A_14 {strides = array<i32>} : memref<256x4096xf8E4M3FN, #tpu.memory_space<vmem>>, vector<256x4096xf8E4M3FN>,
    %convert_element_type3A_17 = arith.extui %and3A : vector<256x4096xi1> to vector<256x4096xi32>
    %broadcast_in_dim3A = arith.constant 0 : i32
    %broadcast_in_dim3A_18 = vector.broadcast %broadcast_in_dim3A : i32 to vector<256x128xi32>
    %slice3A = vector.extract_strided_slice %convert_element_type3A_17 {offsets = [0, 0], sizes = [256, 128], strides = [1, 1]} : vector<256x4096xi32> to vector<256x128xi32>
    %shift_left3A = arith.constant 0 : i32
    %shift_left3A_19 = vector.broadcast %shift_left3A : i32 to vector<256x128xi32>
    %shift_left3A_20 = arith.shli %slice3A, %shift_left3A_19 : vector<256x128xi32>
    %or3A_21 = arith.ori %broadcast_in_dim3A_18, %shift_left3A_20 : vector<256x128xi32>
    %slice3A_22 = vector.extract_strided_slice %convert_element_type3A_17 {offsets = [0, 128], sizes = [256, 128], strides = [1, 1]} : vector<256x4096xi32> to vector<256x128xi32>
    %shift_left3A_23 = arith.constant 1 : i32
    %shift_left3A_24 = vector.broadcast %shift_left3A_23 : i32 to vector<256x128xi32>
    %shift_left3A_25 = arith.shli %slice3A_22, %shift_left3A_24 : vector<256x128xi32>
    %or3A_26 = arith.ori %or3A_21, %shift_left3A_25 : vector<256x128xi32>
    %slice3A_27 = vector.extract_strided_slice %convert_element_type3A_17 {offsets = [0, 256], sizes = [256, 128], strides = [1, 1]} : vector<256x4096xi32> to vector<256x128xi32>
    %shift_left3A_28 = arith.constant 2 : i32
    %shift_left3A_29 = vector.broadcast %shift_left3A_28 : i32 to vector<256x128xi32>
    %shift_left3A_30 = arith.shli %slice3A_27, %shift_left3A_29 : vector<256x128xi32>
    %or3A_31 = arith.ori %or3A_26, %shift_left3A_30 : vector<256x128xi32>
    %slice3A_32 = vector.extract_strided_slice %convert_element_type3A_17 {offsets = [0, 384], sizes = [256, 128], strides = [1, 1]} : vector<256x4096xi32> to vector<256x128xi32>
    %shift_left3A_33 = arith.constant 3 : i32
    %shift_left3A_34 = vector.broadcast %shift_left3A_33 : i32 to vector<256x128xi32>
    %shift_left3A_35 = arith.shli %slice3A_32, %shift_left3A_34 : vector<256x128xi32>
    %or3A_36 = arith.ori %or3A_31, %shift_left3A_35 : vector<256x128xi32>
    %slice3A_37 = vector.extract_strided_slice %convert_element_type3A_17 {offsets = [0, 512], sizes = [256, 128], strides = [1, 1]} : vector<256x4096xi32> to vector<256x128xi32>
    %shift_left3A_38 = arith.constant 4 : i32
    %shift_left3A_39 = vector.broadcast %shift_left3A_38 : i32 to vector<256x128xi32>
    %shift_left3A_40 = arith.shli %slice3A_37, %shift_left3A_39 : vector<256x128xi32>
    %or3A_41 = arith.ori %or3A_36, %shift_left3A_40 : vector<256x128xi32>
    %slice3A_42 = vector.extract_strided_slice %convert_element_type3A_17 {offsets = [0, 640], sizes = [256, 128], strides = [1, 1]} : vector<256x4096xi32> to vector<256x128xi32>
    %shift_left3A_43 = arith.constant 5 : i32
    %shift_left3A_44 = vector.broadcast %shift_left3A_43 : i32 to vector<256x128xi32>
    %shift_left3A_45 = arith.shli %slice3A_42, %shift_left3A_44 : vector<256x128xi32>
    %or3A_46 = arith.ori %or3A_41, %shift_left3A_45 : vector<256x128xi32>
    %slice3A_47 = vector.extract_strided_slice %convert_element_type3A_17 {offsets = [0, 768], sizes = [256, 128], strides = [1, 1]} : vector<256x4096xi32> to vector<256x128xi32>
    %shift_left3A_48 = arith.constant 6 : i32
    %shift_left3A_49 = vector.broadcast %shift_left3A_48 : i32 to vector<256x128xi32>
    %shift_left3A_50 = arith.shli %slice3A_47, %shift_left3A_49 : vector<256x128xi32>
    %or3A_51 = arith.ori %or3A_46, %shift_left3A_50 : vector<256x128xi32>
    %slice3A_52 = vector.extract_strided_slice %convert_element_type3A_17 {offsets = [0, 896], sizes = [256, 128], strides = [1, 1]} : vector<256x4096xi32> to vector<256x128xi32>
    %shift_left3A_53 = arith.constant 7 : i32
    %shift_left3A_54 = vector.broadcast %shift_left3A_53 : i32 to vector<256x128xi32>
    %shift_left3A_55 = arith.shli %slice3A_52, %shift_left3A_54 : vector<256x128xi32>
    %or3A_56 = arith.ori %or3A_51, %shift_left3A_55 : vector<256x128xi32>
    %slice3A_57 = vector.extract_strided_slice %convert_element_type3A_17 {offsets = [0, 1024], sizes = [256, 128], strides = [1, 1]} : vector<256x4096xi32> to vector<256x128xi32>
    %shift_left3A_58 = arith.constant 8 : i32
    %shift_left3A_59 = vector.broadcast %shift_left3A_58 : i32 to vector<256x128xi32>
    %shift_left3A_60 = arith.shli %slice3A_57, %shift_left3A_59 : vector<256x128xi32>
    %or3A_61 = arith.ori %or3A_56, %shift_left3A_60 : vector<256x128xi32>
    %slice3A_62 = vector.extract_strided_slice %convert_element_type3A_17 {offsets = [0, 1152], sizes = [256, 128], strides = [1, 1]} : vector<256x4096xi32> to vector<256x128xi32>
    %shift_left3A_63 = arith.constant 9 : i32
    %shift_left3A_64 = vector.broadcast %shift_left3A_63 : i32 to vector<256x128xi32>
    %shift_left3A_65 = arith.shli %slice3A_62, %shift_left3A_64 : vector<256x128xi32>
    %or3A_66 = arith.ori %or3A_61, %shift_left3A_65 : vector<256x128xi32>
    %slice3A_67 = vector.extract_strided_slice %convert_element_type3A_17 {offsets = [0, 1280], sizes = [256, 128], strides = [1, 1]} : vector<256x4096xi32> to vector<256x128xi32>
    %shift_left3A_68 = arith.constant 10 : i32
    %shift_left3A_69 = vector.broadcast %shift_left3A_68 : i32 to vector<256x128xi32>
    %shift_left3A_70 = arith.shli %slice3A_67, %shift_left3A_69 : vector<256x128xi32>
    %or3A_71 = arith.ori %or3A_66, %shift_left3A_70 : vector<256x128xi32>
    %slice3A_72 = vector.extract_strided_slice %convert_element_type3A_17 {offsets = [0, 1408], sizes = [256, 128], strides = [1, 1]} : vector<256x4096xi32> to vector<256x128xi32>
    %shift_left3A_73 = arith.constant 11 : i32
    %shift_left3A_74 = vector.broadcast %shift_left3A_73 : i32 to vector<256x128xi32>
    %shift_left3A_75 = arith.shli %slice3A_72, %shift_left3A_74 : vector<256x128xi32>
    %or3A_76 = arith.ori %or3A_71, %shift_left3A_75 : vector<256x128xi32>
    %slice3A_77 = vector.extract_strided_slice %convert_element_type3A_17 {offsets = [0, 1536], sizes = [256, 128], strides = [1, 1]} : vector<256x4096xi32> to vector<256x128xi32>
    %shift_left3A_78 = arith.constant 12 : i32
    %shift_left3A_79 = vector.broadcast %shift_left3A_78 : i32 to vector<256x128xi32>
    %shift_left3A_80 = arith.shli %slice3A_77, %shift_left3A_79 : vector<256x128xi32>
    %or3A_81 = arith.ori %or3A_76, %shift_left3A_80 : vector<256x128xi32>
    %slice3A_82 = vector.extract_strided_slice %convert_element_type3A_17 {offsets = [0, 1664], sizes = [256, 128], strides = [1, 1]} : vector<256x4096xi32> to vector<256x128xi32>
    %shift_left3A_83 = arith.constant 13 : i32
    %shift_left3A_84 = vector.broadcast %shift_left3A_83 : i32 to vector<256x128xi32>
    %shift_left3A_85 = arith.shli %slice3A_82, %shift_left3A_84 : vector<256x128xi32>
    %or3A_86 = arith.ori %or3A_81, %shift_left3A_85 : vector<256x128xi32>
    %slice3A_87 = vector.extract_strided_slice %convert_element_type3A_17 {offsets = [0, 1792], sizes = [256, 128], strides = [1, 1]} : vector<256x4096xi32> to vector<256x128xi32>
    %shift_left3A_88 = arith.constant 14 : i32
    %shift_left3A_89 = vector.broadcast %shift_left3A_88 : i32 to vector<256x128xi32>
    %shift_left3A_90 = arith.shli %slice3A_87, %shift_left3A_89 : vector<256x128xi32>
    %or3A_91 = arith.ori %or3A_86, %shift_left3A_90 : vector<256x128xi32>
    %slice3A_92 = vector.extract_strided_slice %convert_element_type3A_17 {offsets = [0, 1920], sizes = [256, 128], strides = [1, 1]} : vector<256x4096xi32> to vector<256x128xi32>
    %shift_left3A_93 = arith.constant 15 : i32
    %shift_left3A_94 = vector.broadcast %shift_left3A_93 : i32 to vector<256x128xi32>
    %shift_left3A_95 = arith.shli %slice3A_92, %shift_left3A_94 : vector<256x128xi32>
    %or3A_96 = arith.ori %or3A_91, %shift_left3A_95 : vector<256x128xi32>
    %slice3A_97 = vector.extract_strided_slice %convert_element_type3A_17 {offsets = [0, 2048], sizes = [256, 128], strides = [1, 1]} : vector<256x4096xi32> to vector<256x128xi32>
    %shift_left3A_98 = arith.constant 16 : i32
    %shift_left3A_99 = vector.broadcast %shift_left3A_98 : i32 to vector<256x128xi32>
    %shift_left3A_100 = arith.shli %slice3A_97, %shift_left3A_99 : vector<256x128xi32>
    %or3A_101 = arith.ori %or3A_96, %shift_left3A_100 : vector<256x128xi32>
    %slice3A_102 = vector.extract_strided_slice %convert_element_type3A_17 {offsets = [0, 2176], sizes = [256, 128], strides = [1, 1]} : vector<256x4096xi32> to vector<256x128xi32>
    %shift_left3A_103 = arith.constant 17 : i32
    %shift_left3A_104 = vector.broadcast %shift_left3A_103 : i32 to vector<256x128xi32>
    %shift_left3A_105 = arith.shli %slice3A_102, %shift_left3A_104 : vector<256x128xi32>
    %or3A_106 = arith.ori %or3A_101, %shift_left3A_105 : vector<256x128xi32>
    %slice3A_107 = vector.extract_strided_slice %convert_element_type3A_17 {offsets = [0, 2304], sizes = [256, 128], strides = [1, 1]} : vector<256x4096xi32> to vector<256x128xi32>
    %shift_left3A_108 = arith.constant 18 : i32
    %shift_left3A_109 = vector.broadcast %shift_left3A_108 : i32 to vector<256x128xi32>
    %shift_left3A_110 = arith.shli %slice3A_107, %shift_left3A_109 : vector<256x128xi32>
    %or3A_111 = arith.ori %or3A_106, %shift_left3A_110 : vector<256x128xi32>
    %slice3A_112 = vector.extract_strided_slice %convert_element_type3A_17 {offsets = [0, 2432], sizes = [256, 128], strides = [1, 1]} : vector<256x4096xi32> to vector<256x128xi32>
    %shift_left3A_113 = arith.constant 19 : i32
    %shift_left3A_114 = vector.broadcast %shift_left3A_113 : i32 to vector<256x128xi32>
    %shift_left3A_115 = arith.shli %slice3A_112, %shift_left3A_114 : vector<256x128xi32>
    %or3A_116 = arith.ori %or3A_111, %shift_left3A_115 : vector<256x128xi32>
    %slice3A_117 = vector.extract_strided_slice %convert_element_type3A_17 {offsets = [0, 2560], sizes = [256, 128], strides = [1, 1]} : vector<256x4096xi32> to vector<256x128xi32>
    %shift_left3A_118 = arith.constant 20 : i32
    %shift_left3A_119 = vector.broadcast %shift_left3A_118 : i32 to vector<256x128xi32>
    %shift_left3A_120 = arith.shli %slice3A_117, %shift_left3A_119 : vector<256x128xi32>
    %or3A_121 = arith.ori %or3A_116, %shift_left3A_120 : vector<256x128xi32>
    %slice3A_122 = vector.extract_strided_slice %convert_element_type3A_17 {offsets = [0, 2688], sizes = [256, 128], strides = [1, 1]} : vector<256x4096xi32> to vector<256x128xi32>
    %shift_left3A_123 = arith.constant 21 : i32
    %shift_left3A_124 = vector.broadcast %shift_left3A_123 : i32 to vector<256x128xi32>
    %shift_left3A_125 = arith.shli %slice3A_122, %shift_left3A_124 : vector<256x128xi32>
    %or3A_126 = arith.ori %or3A_121, %shift_left3A_125 : vector<256x128xi32>
    %slice3A_127 = vector.extract_strided_slice %convert_element_type3A_17 {offsets = [0, 2816], sizes = [256, 128], strides = [1, 1]} : vector<256x4096xi32> to vector<256x128xi32>
    %shift_left3A_128 = arith.constant 22 : i32
    %shift_left3A_129 = vector.broadcast %shift_left3A_128 : i32 to vector<256x128xi32>
    %shift_left3A_130 = arith.shli %slice3A_127, %shift_left3A_129 : vector<256x128xi32>
    %or3A_131 = arith.ori %or3A_126, %shift_left3A_130 : vector<256x128xi32>
    %slice3A_132 = vector.extract_strided_slice %convert_element_type3A_17 {offsets = [0, 2944], sizes = [256, 128], strides = [1, 1]} : vector<256x4096xi32> to vector<256x128xi32>
    %shift_left3A_133 = arith.constant 23 : i32
    %shift_left3A_134 = vector.broadcast %shift_left3A_133 : i32 to vector<256x128xi32>
    %shift_left3A_135 = arith.shli %slice3A_132, %shift_left3A_134 : vector<256x128xi32>
    %or3A_136 = arith.ori %or3A_131, %shift_left3A_135 : vector<256x128xi32>
    %slice3A_137 = vector.extract_strided_slice %convert_element_type3A_17 {offsets = [0, 3072], sizes = [256, 128], strides = [1, 1]} : vector<256x4096xi32> to vector<256x128xi32>
    %shift_left3A_138 = arith.constant 24 : i32
    %shift_left3A_139 = vector.broadcast %shift_left3A_138 : i32 to vector<256x128xi32>
    %shift_left3A_140 = arith.shli %slice3A_137, %shift_left3A_139 : vector<256x128xi32>
    %or3A_141 = arith.ori %or3A_136, %shift_left3A_140 : vector<256x128xi32>
    %slice3A_142 = vector.extract_strided_slice %convert_element_type3A_17 {offsets = [0, 3200], sizes = [256, 128], strides = [1, 1]} : vector<256x4096xi32> to vector<256x128xi32>
    %shift_left3A_143 = arith.constant 25 : i32
    %shift_left3A_144 = vector.broadcast %shift_left3A_143 : i32 to vector<256x128xi32>
    %shift_left3A_145 = arith.shli %slice3A_142, %shift_left3A_144 : vector<256x128xi32>
    %or3A_146 = arith.ori %or3A_141, %shift_left3A_145 : vector<256x128xi32>
    %slice3A_147 = vector.extract_strided_slice %convert_element_type3A_17 {offsets = [0, 3328], sizes = [256, 128], strides = [1, 1]} : vector<256x4096xi32> to vector<256x128xi32>
    %shift_left3A_148 = arith.constant 26 : i32
    %shift_left3A_149 = vector.broadcast %shift_left3A_148 : i32 to vector<256x128xi32>
    %shift_left3A_150 = arith.shli %slice3A_147, %shift_left3A_149 : vector<256x128xi32>
    %or3A_151 = arith.ori %or3A_146, %shift_left3A_150 : vector<256x128xi32>
    %slice3A_152 = vector.extract_strided_slice %convert_element_type3A_17 {offsets = [0, 3456], sizes = [256, 128], strides = [1, 1]} : vector<256x4096xi32> to vector<256x128xi32>
    %shift_left3A_153 = arith.constant 27 : i32
    %shift_left3A_154 = vector.broadcast %shift_left3A_153 : i32 to vector<256x128xi32>
    %shift_left3A_155 = arith.shli %slice3A_152, %shift_left3A_154 : vector<256x128xi32>
    %or3A_156 = arith.ori %or3A_151, %shift_left3A_155 : vector<256x128xi32>
    %slice3A_157 = vector.extract_strided_slice %convert_element_type3A_17 {offsets = [0, 3584], sizes = [256, 128], strides = [1, 1]} : vector<256x4096xi32> to vector<256x128xi32>
    %shift_left3A_158 = arith.constant 28 : i32
    %shift_left3A_159 = vector.broadcast %shift_left3A_158 : i32 to vector<256x128xi32>
    %shift_left3A_160 = arith.shli %slice3A_157, %shift_left3A_159 : vector<256x128xi32>
    %or3A_161 = arith.ori %or3A_156, %shift_left3A_160 : vector<256x128xi32>
    %slice3A_162 = vector.extract_strided_slice %convert_element_type3A_17 {offsets = [0, 3712], sizes = [256, 128], strides = [1, 1]} : vector<256x4096xi32> to vector<256x128xi32>
    %shift_left3A_163 = arith.constant 29 : i32
    %shift_left3A_164 = vector.broadcast %shift_left3A_163 : i32 to vector<256x128xi32>
    %shift_left3A_165 = arith.shli %slice3A_162, %shift_left3A_164 : vector<256x128xi32>
    %or3A_166 = arith.ori %or3A_161, %shift_left3A_165 : vector<256x128xi32>
    %slice3A_167 = vector.extract_strided_slice %convert_element_type3A_17 {offsets = [0, 3840], sizes = [256, 128], strides = [1, 1]} : vector<256x4096xi32> to vector<256x128xi32>
    %shift_left3A_168 = arith.constant 30 : i32
    %shift_left3A_169 = vector.broadcast %shift_left3A_168 : i32 to vector<256x128xi32>
    %shift_left3A_170 = arith.shli %slice3A_167, %shift_left3A_169 : vector<256x128xi32>
    %or3A_171 = arith.ori %or3A_166, %shift_left3A_170 : vector<256x128xi32>
    %slice3A_172 = vector.extract_strided_slice %convert_element_type3A_17 {offsets = [0, 3968], sizes = [256, 128], strides = [1, 1]} : vector<256x4096xi32> to vector<256x128xi32>
    %shift_left3A_173 = arith.constant 31 : i32
    %shift_left3A_174 = vector.broadcast %shift_left3A_173 : i32 to vector<256x128xi32>
    %shift_left3A_175 = arith.shli %slice3A_172, %shift_left3A_174 : vector<256x128xi32>
    %or3A_176 = arith.ori %or3A_171, %shift_left3A_175 : vector<256x128xi32>
    %swap3A_177 = arith.constant 0 : index
    %swap3A_178 = arith.constant 0 : index
    %swap3A_179 = vector.load %arg4[%swap3A_177, %swap3A_178] : memref<256x128xi32, #tpu.memory_space<vmem>>, vector<256x128xi32>
    tpu.vector_store %arg4[%swap3A_177, %swap3A_178], %or3A_176 {strides = array<i32>} : memref<256x128xi32, #tpu.memory_space<vmem>>, vector<256x128xi32>,
    return
  }
  func.func @transform_0(%arg0: i32) -> (i32, i32) {
    %c0_i32 = arith.constant 0 : i32
    %c0_i32_0 = arith.constant 0 : i32
    return %arg0, %c0_i32 : i32, i32
  }
  func.func @transform_1(%arg0: i32) -> (i32, i32) {
    %c0_i32 = arith.constant 0 : i32
    %c0_i32_0 = arith.constant 0 : i32
    return %c0_i32, %arg0 : i32, i32
  }
  func.func @transform_2(%arg0: i32) -> (i32, i32) {
    %c0_i32 = arith.constant 0 : i32
    %c0_i32_0 = arith.constant 0 : i32
    return %arg0, %c0_i32 : i32, i32
  }
  func.func @transform_3(%arg0: i32) -> (i32, i32) {
    %c0_i32 = arith.constant 0 : i32
    %c0_i32_0 = arith.constant 0 : i32
    return %arg0, %c0_i32 : i32, i32
  }
}

module attributes {stable_mosaic.version = 14 : i64} {
  func.func @_a2_body(%arg0: i32, %arg1: memref<256x4096xf8E4M3FN, #tpu.memory_space<vmem>>, %arg2: memref<4096x4096xf8E4M3FN, #tpu.memory_space<vmem>>, %arg3: memref<256x128xi32, #tpu.memory_space<vmem>>) attributes {dimension_semantics = [#tpu.dimension_semantics<arbitrary>], iteration_bounds = array<i64: 16>, scalar_prefetch = 0 : i64, scratch_operands = 0 : i64, tpu.core_type = #tpu.core_type<tc>, window_params = [{transform_indices = @transform_0, window_bounds = array<i64: 256, 4096>}, {pipeline_mode = #tpu.pipeline_mode<synchronous>, transform_indices = @transform_1, window_bounds = array<i64: 4096, 4096>}, {transform_indices = @transform_2, window_bounds = array<i64: 256, 128>}]} {
    %get3A = arith.constant 0 : index
    %get3A_0 = arith.constant 0 : index
    %get3A_1 = vector.load %arg1[%get3A, %get3A_0] : memref<256x4096xf8E4M3FN, #tpu.memory_space<vmem>>, vector<256x4096xf8E4M3FN>
    %get3A_2 = arith.constant 0 : index
    %get3A_3 = arith.constant 0 : index
    %get3A_4 = vector.load %arg2[%get3A_2, %get3A_3] : memref<4096x4096xf8E4M3FN, #tpu.memory_space<vmem>>, vector<4096x4096xf8E4M3FN>
    %dot_general3A = arith.constant dense<0.000000e+00> : vector<256x4096xf32>
    %dot_general3A_5 = tpu.matmul %get3A_1, %get3A_4, %dot_general3A {dimension_numbers = #tpu.dot_dimension_numbers<[1], [0], [0], [1], [0, 0, 1, 1], [], []>, transpose_lhs_hint = false} : vector<256x4096xf8E4M3FN>, vector<4096x4096xf8E4M3FN>, vector<256x4096xf32> -> vector<256x4096xf32>
    %mul3A = arith.constant 256 : i32
    %mul3A_6 = arith.muli %arg0, %mul3A : i32
    %iota3A = tpu.iota {dimensions = array<i32: 0>} : vector<256x4096xi32>
    %add3A = vector.broadcast %mul3A_6 : i32 to vector<256x4096xi32>
    %add3A_7 = arith.addi %add3A, %iota3A : vector<256x4096xi32>
    %iota3A_8 = tpu.iota {dimensions = array<i32: 1>} : vector<256x4096xi32>
    %gt3A = arith.constant 5.000000e-01 : f32
    %gt3A_9 = vector.broadcast %gt3A : f32 to vector<256x4096xf32>
    %gt3A_10 = arith.cmpf ogt, %dot_general3A_5, %gt3A_9 : vector<256x4096xf32>
    %convert_element_type3A = arith.extf %get3A_1 : vector<256x4096xf8E4M3FN> to vector<256x4096xf32>
    %eq3A = arith.constant 0.000000e+00 : f32
    %eq3A_11 = vector.broadcast %eq3A : f32 to vector<256x4096xf32>
    %eq3A_12 = arith.cmpf oeq, %convert_element_type3A, %eq3A_11 : vector<256x4096xf32>
    %and3A = arith.andi %gt3A_10, %eq3A_12 : vector<256x4096xi1>
    %ne3A = arith.cmpi ne, %add3A_7, %iota3A_8 : vector<256x4096xi32>
    %and3A_13 = arith.andi %and3A, %ne3A : vector<256x4096xi1>
    %convert_element_type3A_14 = arith.extui %and3A_13 : vector<256x4096xi1> to vector<256x4096xi32>
    %broadcast_in_dim3A = arith.constant 0 : i32
    %broadcast_in_dim3A_15 = vector.broadcast %broadcast_in_dim3A : i32 to vector<256x128xi32>
    %slice3A = vector.extract_strided_slice %convert_element_type3A_14 {offsets = [0, 0], sizes = [256, 128], strides = [1, 1]} : vector<256x4096xi32> to vector<256x128xi32>
    %shift_left3A = arith.constant 0 : i32
    %shift_left3A_16 = vector.broadcast %shift_left3A : i32 to vector<256x128xi32>
    %shift_left3A_17 = arith.shli %slice3A, %shift_left3A_16 : vector<256x128xi32>
    %or3A = arith.ori %broadcast_in_dim3A_15, %shift_left3A_17 : vector<256x128xi32>
    %slice3A_18 = vector.extract_strided_slice %convert_element_type3A_14 {offsets = [0, 128], sizes = [256, 128], strides = [1, 1]} : vector<256x4096xi32> to vector<256x128xi32>
    %shift_left3A_19 = arith.constant 1 : i32
    %shift_left3A_20 = vector.broadcast %shift_left3A_19 : i32 to vector<256x128xi32>
    %shift_left3A_21 = arith.shli %slice3A_18, %shift_left3A_20 : vector<256x128xi32>
    %or3A_22 = arith.ori %or3A, %shift_left3A_21 : vector<256x128xi32>
    %slice3A_23 = vector.extract_strided_slice %convert_element_type3A_14 {offsets = [0, 256], sizes = [256, 128], strides = [1, 1]} : vector<256x4096xi32> to vector<256x128xi32>
    %shift_left3A_24 = arith.constant 2 : i32
    %shift_left3A_25 = vector.broadcast %shift_left3A_24 : i32 to vector<256x128xi32>
    %shift_left3A_26 = arith.shli %slice3A_23, %shift_left3A_25 : vector<256x128xi32>
    %or3A_27 = arith.ori %or3A_22, %shift_left3A_26 : vector<256x128xi32>
    %slice3A_28 = vector.extract_strided_slice %convert_element_type3A_14 {offsets = [0, 384], sizes = [256, 128], strides = [1, 1]} : vector<256x4096xi32> to vector<256x128xi32>
    %shift_left3A_29 = arith.constant 3 : i32
    %shift_left3A_30 = vector.broadcast %shift_left3A_29 : i32 to vector<256x128xi32>
    %shift_left3A_31 = arith.shli %slice3A_28, %shift_left3A_30 : vector<256x128xi32>
    %or3A_32 = arith.ori %or3A_27, %shift_left3A_31 : vector<256x128xi32>
    %slice3A_33 = vector.extract_strided_slice %convert_element_type3A_14 {offsets = [0, 512], sizes = [256, 128], strides = [1, 1]} : vector<256x4096xi32> to vector<256x128xi32>
    %shift_left3A_34 = arith.constant 4 : i32
    %shift_left3A_35 = vector.broadcast %shift_left3A_34 : i32 to vector<256x128xi32>
    %shift_left3A_36 = arith.shli %slice3A_33, %shift_left3A_35 : vector<256x128xi32>
    %or3A_37 = arith.ori %or3A_32, %shift_left3A_36 : vector<256x128xi32>
    %slice3A_38 = vector.extract_strided_slice %convert_element_type3A_14 {offsets = [0, 640], sizes = [256, 128], strides = [1, 1]} : vector<256x4096xi32> to vector<256x128xi32>
    %shift_left3A_39 = arith.constant 5 : i32
    %shift_left3A_40 = vector.broadcast %shift_left3A_39 : i32 to vector<256x128xi32>
    %shift_left3A_41 = arith.shli %slice3A_38, %shift_left3A_40 : vector<256x128xi32>
    %or3A_42 = arith.ori %or3A_37, %shift_left3A_41 : vector<256x128xi32>
    %slice3A_43 = vector.extract_strided_slice %convert_element_type3A_14 {offsets = [0, 768], sizes = [256, 128], strides = [1, 1]} : vector<256x4096xi32> to vector<256x128xi32>
    %shift_left3A_44 = arith.constant 6 : i32
    %shift_left3A_45 = vector.broadcast %shift_left3A_44 : i32 to vector<256x128xi32>
    %shift_left3A_46 = arith.shli %slice3A_43, %shift_left3A_45 : vector<256x128xi32>
    %or3A_47 = arith.ori %or3A_42, %shift_left3A_46 : vector<256x128xi32>
    %slice3A_48 = vector.extract_strided_slice %convert_element_type3A_14 {offsets = [0, 896], sizes = [256, 128], strides = [1, 1]} : vector<256x4096xi32> to vector<256x128xi32>
    %shift_left3A_49 = arith.constant 7 : i32
    %shift_left3A_50 = vector.broadcast %shift_left3A_49 : i32 to vector<256x128xi32>
    %shift_left3A_51 = arith.shli %slice3A_48, %shift_left3A_50 : vector<256x128xi32>
    %or3A_52 = arith.ori %or3A_47, %shift_left3A_51 : vector<256x128xi32>
    %slice3A_53 = vector.extract_strided_slice %convert_element_type3A_14 {offsets = [0, 1024], sizes = [256, 128], strides = [1, 1]} : vector<256x4096xi32> to vector<256x128xi32>
    %shift_left3A_54 = arith.constant 8 : i32
    %shift_left3A_55 = vector.broadcast %shift_left3A_54 : i32 to vector<256x128xi32>
    %shift_left3A_56 = arith.shli %slice3A_53, %shift_left3A_55 : vector<256x128xi32>
    %or3A_57 = arith.ori %or3A_52, %shift_left3A_56 : vector<256x128xi32>
    %slice3A_58 = vector.extract_strided_slice %convert_element_type3A_14 {offsets = [0, 1152], sizes = [256, 128], strides = [1, 1]} : vector<256x4096xi32> to vector<256x128xi32>
    %shift_left3A_59 = arith.constant 9 : i32
    %shift_left3A_60 = vector.broadcast %shift_left3A_59 : i32 to vector<256x128xi32>
    %shift_left3A_61 = arith.shli %slice3A_58, %shift_left3A_60 : vector<256x128xi32>
    %or3A_62 = arith.ori %or3A_57, %shift_left3A_61 : vector<256x128xi32>
    %slice3A_63 = vector.extract_strided_slice %convert_element_type3A_14 {offsets = [0, 1280], sizes = [256, 128], strides = [1, 1]} : vector<256x4096xi32> to vector<256x128xi32>
    %shift_left3A_64 = arith.constant 10 : i32
    %shift_left3A_65 = vector.broadcast %shift_left3A_64 : i32 to vector<256x128xi32>
    %shift_left3A_66 = arith.shli %slice3A_63, %shift_left3A_65 : vector<256x128xi32>
    %or3A_67 = arith.ori %or3A_62, %shift_left3A_66 : vector<256x128xi32>
    %slice3A_68 = vector.extract_strided_slice %convert_element_type3A_14 {offsets = [0, 1408], sizes = [256, 128], strides = [1, 1]} : vector<256x4096xi32> to vector<256x128xi32>
    %shift_left3A_69 = arith.constant 11 : i32
    %shift_left3A_70 = vector.broadcast %shift_left3A_69 : i32 to vector<256x128xi32>
    %shift_left3A_71 = arith.shli %slice3A_68, %shift_left3A_70 : vector<256x128xi32>
    %or3A_72 = arith.ori %or3A_67, %shift_left3A_71 : vector<256x128xi32>
    %slice3A_73 = vector.extract_strided_slice %convert_element_type3A_14 {offsets = [0, 1536], sizes = [256, 128], strides = [1, 1]} : vector<256x4096xi32> to vector<256x128xi32>
    %shift_left3A_74 = arith.constant 12 : i32
    %shift_left3A_75 = vector.broadcast %shift_left3A_74 : i32 to vector<256x128xi32>
    %shift_left3A_76 = arith.shli %slice3A_73, %shift_left3A_75 : vector<256x128xi32>
    %or3A_77 = arith.ori %or3A_72, %shift_left3A_76 : vector<256x128xi32>
    %slice3A_78 = vector.extract_strided_slice %convert_element_type3A_14 {offsets = [0, 1664], sizes = [256, 128], strides = [1, 1]} : vector<256x4096xi32> to vector<256x128xi32>
    %shift_left3A_79 = arith.constant 13 : i32
    %shift_left3A_80 = vector.broadcast %shift_left3A_79 : i32 to vector<256x128xi32>
    %shift_left3A_81 = arith.shli %slice3A_78, %shift_left3A_80 : vector<256x128xi32>
    %or3A_82 = arith.ori %or3A_77, %shift_left3A_81 : vector<256x128xi32>
    %slice3A_83 = vector.extract_strided_slice %convert_element_type3A_14 {offsets = [0, 1792], sizes = [256, 128], strides = [1, 1]} : vector<256x4096xi32> to vector<256x128xi32>
    %shift_left3A_84 = arith.constant 14 : i32
    %shift_left3A_85 = vector.broadcast %shift_left3A_84 : i32 to vector<256x128xi32>
    %shift_left3A_86 = arith.shli %slice3A_83, %shift_left3A_85 : vector<256x128xi32>
    %or3A_87 = arith.ori %or3A_82, %shift_left3A_86 : vector<256x128xi32>
    %slice3A_88 = vector.extract_strided_slice %convert_element_type3A_14 {offsets = [0, 1920], sizes = [256, 128], strides = [1, 1]} : vector<256x4096xi32> to vector<256x128xi32>
    %shift_left3A_89 = arith.constant 15 : i32
    %shift_left3A_90 = vector.broadcast %shift_left3A_89 : i32 to vector<256x128xi32>
    %shift_left3A_91 = arith.shli %slice3A_88, %shift_left3A_90 : vector<256x128xi32>
    %or3A_92 = arith.ori %or3A_87, %shift_left3A_91 : vector<256x128xi32>
    %slice3A_93 = vector.extract_strided_slice %convert_element_type3A_14 {offsets = [0, 2048], sizes = [256, 128], strides = [1, 1]} : vector<256x4096xi32> to vector<256x128xi32>
    %shift_left3A_94 = arith.constant 16 : i32
    %shift_left3A_95 = vector.broadcast %shift_left3A_94 : i32 to vector<256x128xi32>
    %shift_left3A_96 = arith.shli %slice3A_93, %shift_left3A_95 : vector<256x128xi32>
    %or3A_97 = arith.ori %or3A_92, %shift_left3A_96 : vector<256x128xi32>
    %slice3A_98 = vector.extract_strided_slice %convert_element_type3A_14 {offsets = [0, 2176], sizes = [256, 128], strides = [1, 1]} : vector<256x4096xi32> to vector<256x128xi32>
    %shift_left3A_99 = arith.constant 17 : i32
    %shift_left3A_100 = vector.broadcast %shift_left3A_99 : i32 to vector<256x128xi32>
    %shift_left3A_101 = arith.shli %slice3A_98, %shift_left3A_100 : vector<256x128xi32>
    %or3A_102 = arith.ori %or3A_97, %shift_left3A_101 : vector<256x128xi32>
    %slice3A_103 = vector.extract_strided_slice %convert_element_type3A_14 {offsets = [0, 2304], sizes = [256, 128], strides = [1, 1]} : vector<256x4096xi32> to vector<256x128xi32>
    %shift_left3A_104 = arith.constant 18 : i32
    %shift_left3A_105 = vector.broadcast %shift_left3A_104 : i32 to vector<256x128xi32>
    %shift_left3A_106 = arith.shli %slice3A_103, %shift_left3A_105 : vector<256x128xi32>
    %or3A_107 = arith.ori %or3A_102, %shift_left3A_106 : vector<256x128xi32>
    %slice3A_108 = vector.extract_strided_slice %convert_element_type3A_14 {offsets = [0, 2432], sizes = [256, 128], strides = [1, 1]} : vector<256x4096xi32> to vector<256x128xi32>
    %shift_left3A_109 = arith.constant 19 : i32
    %shift_left3A_110 = vector.broadcast %shift_left3A_109 : i32 to vector<256x128xi32>
    %shift_left3A_111 = arith.shli %slice3A_108, %shift_left3A_110 : vector<256x128xi32>
    %or3A_112 = arith.ori %or3A_107, %shift_left3A_111 : vector<256x128xi32>
    %slice3A_113 = vector.extract_strided_slice %convert_element_type3A_14 {offsets = [0, 2560], sizes = [256, 128], strides = [1, 1]} : vector<256x4096xi32> to vector<256x128xi32>
    %shift_left3A_114 = arith.constant 20 : i32
    %shift_left3A_115 = vector.broadcast %shift_left3A_114 : i32 to vector<256x128xi32>
    %shift_left3A_116 = arith.shli %slice3A_113, %shift_left3A_115 : vector<256x128xi32>
    %or3A_117 = arith.ori %or3A_112, %shift_left3A_116 : vector<256x128xi32>
    %slice3A_118 = vector.extract_strided_slice %convert_element_type3A_14 {offsets = [0, 2688], sizes = [256, 128], strides = [1, 1]} : vector<256x4096xi32> to vector<256x128xi32>
    %shift_left3A_119 = arith.constant 21 : i32
    %shift_left3A_120 = vector.broadcast %shift_left3A_119 : i32 to vector<256x128xi32>
    %shift_left3A_121 = arith.shli %slice3A_118, %shift_left3A_120 : vector<256x128xi32>
    %or3A_122 = arith.ori %or3A_117, %shift_left3A_121 : vector<256x128xi32>
    %slice3A_123 = vector.extract_strided_slice %convert_element_type3A_14 {offsets = [0, 2816], sizes = [256, 128], strides = [1, 1]} : vector<256x4096xi32> to vector<256x128xi32>
    %shift_left3A_124 = arith.constant 22 : i32
    %shift_left3A_125 = vector.broadcast %shift_left3A_124 : i32 to vector<256x128xi32>
    %shift_left3A_126 = arith.shli %slice3A_123, %shift_left3A_125 : vector<256x128xi32>
    %or3A_127 = arith.ori %or3A_122, %shift_left3A_126 : vector<256x128xi32>
    %slice3A_128 = vector.extract_strided_slice %convert_element_type3A_14 {offsets = [0, 2944], sizes = [256, 128], strides = [1, 1]} : vector<256x4096xi32> to vector<256x128xi32>
    %shift_left3A_129 = arith.constant 23 : i32
    %shift_left3A_130 = vector.broadcast %shift_left3A_129 : i32 to vector<256x128xi32>
    %shift_left3A_131 = arith.shli %slice3A_128, %shift_left3A_130 : vector<256x128xi32>
    %or3A_132 = arith.ori %or3A_127, %shift_left3A_131 : vector<256x128xi32>
    %slice3A_133 = vector.extract_strided_slice %convert_element_type3A_14 {offsets = [0, 3072], sizes = [256, 128], strides = [1, 1]} : vector<256x4096xi32> to vector<256x128xi32>
    %shift_left3A_134 = arith.constant 24 : i32
    %shift_left3A_135 = vector.broadcast %shift_left3A_134 : i32 to vector<256x128xi32>
    %shift_left3A_136 = arith.shli %slice3A_133, %shift_left3A_135 : vector<256x128xi32>
    %or3A_137 = arith.ori %or3A_132, %shift_left3A_136 : vector<256x128xi32>
    %slice3A_138 = vector.extract_strided_slice %convert_element_type3A_14 {offsets = [0, 3200], sizes = [256, 128], strides = [1, 1]} : vector<256x4096xi32> to vector<256x128xi32>
    %shift_left3A_139 = arith.constant 25 : i32
    %shift_left3A_140 = vector.broadcast %shift_left3A_139 : i32 to vector<256x128xi32>
    %shift_left3A_141 = arith.shli %slice3A_138, %shift_left3A_140 : vector<256x128xi32>
    %or3A_142 = arith.ori %or3A_137, %shift_left3A_141 : vector<256x128xi32>
    %slice3A_143 = vector.extract_strided_slice %convert_element_type3A_14 {offsets = [0, 3328], sizes = [256, 128], strides = [1, 1]} : vector<256x4096xi32> to vector<256x128xi32>
    %shift_left3A_144 = arith.constant 26 : i32
    %shift_left3A_145 = vector.broadcast %shift_left3A_144 : i32 to vector<256x128xi32>
    %shift_left3A_146 = arith.shli %slice3A_143, %shift_left3A_145 : vector<256x128xi32>
    %or3A_147 = arith.ori %or3A_142, %shift_left3A_146 : vector<256x128xi32>
    %slice3A_148 = vector.extract_strided_slice %convert_element_type3A_14 {offsets = [0, 3456], sizes = [256, 128], strides = [1, 1]} : vector<256x4096xi32> to vector<256x128xi32>
    %shift_left3A_149 = arith.constant 27 : i32
    %shift_left3A_150 = vector.broadcast %shift_left3A_149 : i32 to vector<256x128xi32>
    %shift_left3A_151 = arith.shli %slice3A_148, %shift_left3A_150 : vector<256x128xi32>
    %or3A_152 = arith.ori %or3A_147, %shift_left3A_151 : vector<256x128xi32>
    %slice3A_153 = vector.extract_strided_slice %convert_element_type3A_14 {offsets = [0, 3584], sizes = [256, 128], strides = [1, 1]} : vector<256x4096xi32> to vector<256x128xi32>
    %shift_left3A_154 = arith.constant 28 : i32
    %shift_left3A_155 = vector.broadcast %shift_left3A_154 : i32 to vector<256x128xi32>
    %shift_left3A_156 = arith.shli %slice3A_153, %shift_left3A_155 : vector<256x128xi32>
    %or3A_157 = arith.ori %or3A_152, %shift_left3A_156 : vector<256x128xi32>
    %slice3A_158 = vector.extract_strided_slice %convert_element_type3A_14 {offsets = [0, 3712], sizes = [256, 128], strides = [1, 1]} : vector<256x4096xi32> to vector<256x128xi32>
    %shift_left3A_159 = arith.constant 29 : i32
    %shift_left3A_160 = vector.broadcast %shift_left3A_159 : i32 to vector<256x128xi32>
    %shift_left3A_161 = arith.shli %slice3A_158, %shift_left3A_160 : vector<256x128xi32>
    %or3A_162 = arith.ori %or3A_157, %shift_left3A_161 : vector<256x128xi32>
    %slice3A_163 = vector.extract_strided_slice %convert_element_type3A_14 {offsets = [0, 3840], sizes = [256, 128], strides = [1, 1]} : vector<256x4096xi32> to vector<256x128xi32>
    %shift_left3A_164 = arith.constant 30 : i32
    %shift_left3A_165 = vector.broadcast %shift_left3A_164 : i32 to vector<256x128xi32>
    %shift_left3A_166 = arith.shli %slice3A_163, %shift_left3A_165 : vector<256x128xi32>
    %or3A_167 = arith.ori %or3A_162, %shift_left3A_166 : vector<256x128xi32>
    %slice3A_168 = vector.extract_strided_slice %convert_element_type3A_14 {offsets = [0, 3968], sizes = [256, 128], strides = [1, 1]} : vector<256x4096xi32> to vector<256x128xi32>
    %shift_left3A_169 = arith.constant 31 : i32
    %shift_left3A_170 = vector.broadcast %shift_left3A_169 : i32 to vector<256x128xi32>
    %shift_left3A_171 = arith.shli %slice3A_168, %shift_left3A_170 : vector<256x128xi32>
    %or3A_172 = arith.ori %or3A_167, %shift_left3A_171 : vector<256x128xi32>
    %swap3A = arith.constant 0 : index
    %swap3A_173 = arith.constant 0 : index
    %swap3A_174 = vector.load %arg3[%swap3A, %swap3A_173] : memref<256x128xi32, #tpu.memory_space<vmem>>, vector<256x128xi32>
    tpu.vector_store %arg3[%swap3A, %swap3A_173], %or3A_172 {strides = array<i32>} : memref<256x128xi32, #tpu.memory_space<vmem>>, vector<256x128xi32>,
    return
  }
  func.func @transform_0(%arg0: i32) -> (i32, i32) {
    %c0_i32 = arith.constant 0 : i32
    %c0_i32_0 = arith.constant 0 : i32
    return %arg0, %c0_i32 : i32, i32
  }
  func.func @transform_1(%arg0: i32) -> (i32, i32) {
    %c0_i32 = arith.constant 0 : i32
    %c0_i32_0 = arith.constant 0 : i32
    %c0_i32_1 = arith.constant 0 : i32
    return %c0_i32, %c0_i32_0 : i32, i32
  }
  func.func @transform_2(%arg0: i32) -> (i32, i32) {
    %c0_i32 = arith.constant 0 : i32
    %c0_i32_0 = arith.constant 0 : i32
    return %arg0, %c0_i32 : i32, i32
  }
}

module attributes {stable_mosaic.version = 14 : i64} {
  func.func @_mlp_body(%arg0: memref<4096x128xi32, #tpu.memory_space<vmem>>, %arg1: memref<4096x128xi32, #tpu.memory_space<vmem>>, %arg2: memref<4096x128xi32, #tpu.memory_space<vmem>>, %arg3: memref<4096x128xi32, #tpu.memory_space<vmem>>, %arg4: memref<4096x128xi32, #tpu.memory_space<vmem>>, %arg5: memref<4096x128xf32, #tpu.memory_space<vmem>>, %arg6: memref<4096x128xf32, #tpu.memory_space<vmem>>, %arg7: memref<256x128xf32, #tpu.memory_space<vmem>>, %arg8: memref<8x256xf32, #tpu.memory_space<vmem>>, %arg9: memref<256x256xf32, #tpu.memory_space<vmem>>, %arg10: memref<4096x256xf32, #tpu.memory_space<vmem>>, %arg11: memref<4096x256xf32, #tpu.memory_space<vmem>>, %arg12: memref<4096x8xf32, #tpu.memory_space<vmem>>) attributes {dimension_semantics = [], scalar_prefetch = 0 : i64, scratch_operands = 0 : i64, tpu.core_type = #tpu.core_type<tc>} {
    %get3A = arith.constant 0 : index
    %get3A_0 = arith.constant 0 : index
    %get3A_1 = vector.load %arg0[%get3A, %get3A_0] : memref<4096x128xi32, #tpu.memory_space<vmem>>, vector<4096x128xi32>
    %get3A_2 = arith.constant 0 : index
    %get3A_3 = arith.constant 0 : index
    %get3A_4 = vector.load %arg1[%get3A_2, %get3A_3] : memref<4096x128xi32, #tpu.memory_space<vmem>>, vector<4096x128xi32>
    %get3A_5 = arith.constant 0 : index
    %get3A_6 = arith.constant 0 : index
    %get3A_7 = vector.load %arg2[%get3A_5, %get3A_6] : memref<4096x128xi32, #tpu.memory_space<vmem>>, vector<4096x128xi32>
    %get3A_8 = arith.constant 0 : index
    %get3A_9 = arith.constant 0 : index
    %get3A_10 = vector.load %arg3[%get3A_8, %get3A_9] : memref<4096x128xi32, #tpu.memory_space<vmem>>, vector<4096x128xi32>
    %and3A = arith.andi %get3A_1, %get3A_4 : vector<4096x128xi32>
    %shift_right_logical3A = arith.constant 1 : i32
    %shift_right_logical3A_11 = vector.broadcast %shift_right_logical3A : i32 to vector<4096x128xi32>
    %shift_right_logical3A_12 = arith.shrui %and3A, %shift_right_logical3A_11 : vector<4096x128xi32>
    %and3A_13 = arith.constant 1431655765 : i32
    %and3A_14 = vector.broadcast %and3A_13 : i32 to vector<4096x128xi32>
    %and3A_15 = arith.andi %shift_right_logical3A_12, %and3A_14 : vector<4096x128xi32>
    %sub3A = arith.subi %and3A, %and3A_15 : vector<4096x128xi32>
    %and3A_16 = arith.constant 858993459 : i32
    %and3A_17 = vector.broadcast %and3A_16 : i32 to vector<4096x128xi32>
    %and3A_18 = arith.andi %sub3A, %and3A_17 : vector<4096x128xi32>
    %shift_right_logical3A_19 = arith.constant 2 : i32
    %shift_right_logical3A_20 = vector.broadcast %shift_right_logical3A_19 : i32 to vector<4096x128xi32>
    %shift_right_logical3A_21 = arith.shrui %sub3A, %shift_right_logical3A_20 : vector<4096x128xi32>
    %and3A_22 = arith.constant 858993459 : i32
    %and3A_23 = vector.broadcast %and3A_22 : i32 to vector<4096x128xi32>
    %and3A_24 = arith.andi %shift_right_logical3A_21, %and3A_23 : vector<4096x128xi32>
    %add3A = arith.addi %and3A_18, %and3A_24 : vector<4096x128xi32>
    %shift_right_logical3A_25 = arith.constant 4 : i32
    %shift_right_logical3A_26 = vector.broadcast %shift_right_logical3A_25 : i32 to vector<4096x128xi32>
    %shift_right_logical3A_27 = arith.shrui %add3A, %shift_right_logical3A_26 : vector<4096x128xi32>
    %add3A_28 = arith.addi %add3A, %shift_right_logical3A_27 : vector<4096x128xi32>
    %and3A_29 = arith.constant 252645135 : i32
    %and3A_30 = vector.broadcast %and3A_29 : i32 to vector<4096x128xi32>
    %and3A_31 = arith.andi %add3A_28, %and3A_30 : vector<4096x128xi32>
    %shift_right_logical3A_32 = arith.constant 8 : i32
    %shift_right_logical3A_33 = vector.broadcast %shift_right_logical3A_32 : i32 to vector<4096x128xi32>
    %shift_right_logical3A_34 = arith.shrui %and3A_31, %shift_right_logical3A_33 : vector<4096x128xi32>
    %add3A_35 = arith.addi %and3A_31, %shift_right_logical3A_34 : vector<4096x128xi32>
    %shift_right_logical3A_36 = arith.constant 16 : i32
    %shift_right_logical3A_37 = vector.broadcast %shift_right_logical3A_36 : i32 to vector<4096x128xi32>
    %shift_right_logical3A_38 = arith.shrui %add3A_35, %shift_right_logical3A_37 : vector<4096x128xi32>
    %add3A_39 = arith.addi %add3A_35, %shift_right_logical3A_38 : vector<4096x128xi32>
    %and3A_40 = arith.constant 63 : i32
    %and3A_41 = vector.broadcast %and3A_40 : i32 to vector<4096x128xi32>
    %and3A_42 = arith.andi %add3A_39, %and3A_41 : vector<4096x128xi32>
    %convert_element_type3A = arith.sitofp %and3A_42 : vector<4096x128xi32> to vector<4096x128xf32>
    %reduce_sum3A = arith.constant dense<0.000000e+00> : vector<4096xf32>
    %reduce_sum3A_43 = vector.multi_reduction <add>, %convert_element_type3A, %reduce_sum3A [1] : vector<4096x128xf32> to vector<4096xf32>
    %broadcast_in_dim3A = vector.shape_cast %reduce_sum3A_43 : vector<4096xf32> to vector<4096x1xf32>
    %and3A_44 = arith.andi %get3A_1, %get3A_10 : vector<4096x128xi32>
    %shift_right_logical3A_45 = arith.constant 1 : i32
    %shift_right_logical3A_46 = vector.broadcast %shift_right_logical3A_45 : i32 to vector<4096x128xi32>
    %shift_right_logical3A_47 = arith.shrui %and3A_44, %shift_right_logical3A_46 : vector<4096x128xi32>
    %and3A_48 = arith.constant 1431655765 : i32
    %and3A_49 = vector.broadcast %and3A_48 : i32 to vector<4096x128xi32>
    %and3A_50 = arith.andi %shift_right_logical3A_47, %and3A_49 : vector<4096x128xi32>
    %sub3A_51 = arith.subi %and3A_44, %and3A_50 : vector<4096x128xi32>
    %and3A_52 = arith.constant 858993459 : i32
    %and3A_53 = vector.broadcast %and3A_52 : i32 to vector<4096x128xi32>
    %and3A_54 = arith.andi %sub3A_51, %and3A_53 : vector<4096x128xi32>
    %shift_right_logical3A_55 = arith.constant 2 : i32
    %shift_right_logical3A_56 = vector.broadcast %shift_right_logical3A_55 : i32 to vector<4096x128xi32>
    %shift_right_logical3A_57 = arith.shrui %sub3A_51, %shift_right_logical3A_56 : vector<4096x128xi32>
    %and3A_58 = arith.constant 858993459 : i32
    %and3A_59 = vector.broadcast %and3A_58 : i32 to vector<4096x128xi32>
    %and3A_60 = arith.andi %shift_right_logical3A_57, %and3A_59 : vector<4096x128xi32>
    %add3A_61 = arith.addi %and3A_54, %and3A_60 : vector<4096x128xi32>
    %shift_right_logical3A_62 = arith.constant 4 : i32
    %shift_right_logical3A_63 = vector.broadcast %shift_right_logical3A_62 : i32 to vector<4096x128xi32>
    %shift_right_logical3A_64 = arith.shrui %add3A_61, %shift_right_logical3A_63 : vector<4096x128xi32>
    %add3A_65 = arith.addi %add3A_61, %shift_right_logical3A_64 : vector<4096x128xi32>
    %and3A_66 = arith.constant 252645135 : i32
    %and3A_67 = vector.broadcast %and3A_66 : i32 to vector<4096x128xi32>
    %and3A_68 = arith.andi %add3A_65, %and3A_67 : vector<4096x128xi32>
    %shift_right_logical3A_69 = arith.constant 8 : i32
    %shift_right_logical3A_70 = vector.broadcast %shift_right_logical3A_69 : i32 to vector<4096x128xi32>
    %shift_right_logical3A_71 = arith.shrui %and3A_68, %shift_right_logical3A_70 : vector<4096x128xi32>
    %add3A_72 = arith.addi %and3A_68, %shift_right_logical3A_71 : vector<4096x128xi32>
    %shift_right_logical3A_73 = arith.constant 16 : i32
    %shift_right_logical3A_74 = vector.broadcast %shift_right_logical3A_73 : i32 to vector<4096x128xi32>
    %shift_right_logical3A_75 = arith.shrui %add3A_72, %shift_right_logical3A_74 : vector<4096x128xi32>
    %add3A_76 = arith.addi %add3A_72, %shift_right_logical3A_75 : vector<4096x128xi32>
    %and3A_77 = arith.constant 63 : i32
    %and3A_78 = vector.broadcast %and3A_77 : i32 to vector<4096x128xi32>
    %and3A_79 = arith.andi %add3A_76, %and3A_78 : vector<4096x128xi32>
    %convert_element_type3A_80 = arith.sitofp %and3A_79 : vector<4096x128xi32> to vector<4096x128xf32>
    %reduce_sum3A_81 = arith.constant dense<0.000000e+00> : vector<4096xf32>
    %reduce_sum3A_82 = vector.multi_reduction <add>, %convert_element_type3A_80, %reduce_sum3A_81 [1] : vector<4096x128xf32> to vector<4096xf32>
    %broadcast_in_dim3A_83 = vector.shape_cast %reduce_sum3A_82 : vector<4096xf32> to vector<4096x1xf32>
    %and3A_84 = arith.andi %get3A_7, %get3A_4 : vector<4096x128xi32>
    %shift_right_logical3A_85 = arith.constant 1 : i32
    %shift_right_logical3A_86 = vector.broadcast %shift_right_logical3A_85 : i32 to vector<4096x128xi32>
    %shift_right_logical3A_87 = arith.shrui %and3A_84, %shift_right_logical3A_86 : vector<4096x128xi32>
    %and3A_88 = arith.constant 1431655765 : i32
    %and3A_89 = vector.broadcast %and3A_88 : i32 to vector<4096x128xi32>
    %and3A_90 = arith.andi %shift_right_logical3A_87, %and3A_89 : vector<4096x128xi32>
    %sub3A_91 = arith.subi %and3A_84, %and3A_90 : vector<4096x128xi32>
    %and3A_92 = arith.constant 858993459 : i32
    %and3A_93 = vector.broadcast %and3A_92 : i32 to vector<4096x128xi32>
    %and3A_94 = arith.andi %sub3A_91, %and3A_93 : vector<4096x128xi32>
    %shift_right_logical3A_95 = arith.constant 2 : i32
    %shift_right_logical3A_96 = vector.broadcast %shift_right_logical3A_95 : i32 to vector<4096x128xi32>
    %shift_right_logical3A_97 = arith.shrui %sub3A_91, %shift_right_logical3A_96 : vector<4096x128xi32>
    %and3A_98 = arith.constant 858993459 : i32
    %and3A_99 = vector.broadcast %and3A_98 : i32 to vector<4096x128xi32>
    %and3A_100 = arith.andi %shift_right_logical3A_97, %and3A_99 : vector<4096x128xi32>
    %add3A_101 = arith.addi %and3A_94, %and3A_100 : vector<4096x128xi32>
    %shift_right_logical3A_102 = arith.constant 4 : i32
    %shift_right_logical3A_103 = vector.broadcast %shift_right_logical3A_102 : i32 to vector<4096x128xi32>
    %shift_right_logical3A_104 = arith.shrui %add3A_101, %shift_right_logical3A_103 : vector<4096x128xi32>
    %add3A_105 = arith.addi %add3A_101, %shift_right_logical3A_104 : vector<4096x128xi32>
    %and3A_106 = arith.constant 252645135 : i32
    %and3A_107 = vector.broadcast %and3A_106 : i32 to vector<4096x128xi32>
    %and3A_108 = arith.andi %add3A_105, %and3A_107 : vector<4096x128xi32>
    %shift_right_logical3A_109 = arith.constant 8 : i32
    %shift_right_logical3A_110 = vector.broadcast %shift_right_logical3A_109 : i32 to vector<4096x128xi32>
    %shift_right_logical3A_111 = arith.shrui %and3A_108, %shift_right_logical3A_110 : vector<4096x128xi32>
    %add3A_112 = arith.addi %and3A_108, %shift_right_logical3A_111 : vector<4096x128xi32>
    %shift_right_logical3A_113 = arith.constant 16 : i32
    %shift_right_logical3A_114 = vector.broadcast %shift_right_logical3A_113 : i32 to vector<4096x128xi32>
    %shift_right_logical3A_115 = arith.shrui %add3A_112, %shift_right_logical3A_114 : vector<4096x128xi32>
    %add3A_116 = arith.addi %add3A_112, %shift_right_logical3A_115 : vector<4096x128xi32>
    %and3A_117 = arith.constant 63 : i32
    %and3A_118 = vector.broadcast %and3A_117 : i32 to vector<4096x128xi32>
    %and3A_119 = arith.andi %add3A_116, %and3A_118 : vector<4096x128xi32>
    %convert_element_type3A_120 = arith.sitofp %and3A_119 : vector<4096x128xi32> to vector<4096x128xf32>
    %reduce_sum3A_121 = arith.constant dense<0.000000e+00> : vector<4096xf32>
    %reduce_sum3A_122 = vector.multi_reduction <add>, %convert_element_type3A_120, %reduce_sum3A_121 [1] : vector<4096x128xf32> to vector<4096xf32>
    %broadcast_in_dim3A_123 = vector.shape_cast %reduce_sum3A_122 : vector<4096xf32> to vector<4096x1xf32>
    %add3A_124 = arith.addf %broadcast_in_dim3A_83, %broadcast_in_dim3A_123 : vector<4096x1xf32>
    %and3A_125 = arith.andi %get3A_7, %get3A_10 : vector<4096x128xi32>
    %shift_right_logical3A_126 = arith.constant 1 : i32
    %shift_right_logical3A_127 = vector.broadcast %shift_right_logical3A_126 : i32 to vector<4096x128xi32>
    %shift_right_logical3A_128 = arith.shrui %and3A_125, %shift_right_logical3A_127 : vector<4096x128xi32>
    %and3A_129 = arith.constant 1431655765 : i32
    %and3A_130 = vector.broadcast %and3A_129 : i32 to vector<4096x128xi32>
    %and3A_131 = arith.andi %shift_right_logical3A_128, %and3A_130 : vector<4096x128xi32>
    %sub3A_132 = arith.subi %and3A_125, %and3A_131 : vector<4096x128xi32>
    %and3A_133 = arith.constant 858993459 : i32
    %and3A_134 = vector.broadcast %and3A_133 : i32 to vector<4096x128xi32>
    %and3A_135 = arith.andi %sub3A_132, %and3A_134 : vector<4096x128xi32>
    %shift_right_logical3A_136 = arith.constant 2 : i32
    %shift_right_logical3A_137 = vector.broadcast %shift_right_logical3A_136 : i32 to vector<4096x128xi32>
    %shift_right_logical3A_138 = arith.shrui %sub3A_132, %shift_right_logical3A_137 : vector<4096x128xi32>
    %and3A_139 = arith.constant 858993459 : i32
    %and3A_140 = vector.broadcast %and3A_139 : i32 to vector<4096x128xi32>
    %and3A_141 = arith.andi %shift_right_logical3A_138, %and3A_140 : vector<4096x128xi32>
    %add3A_142 = arith.addi %and3A_135, %and3A_141 : vector<4096x128xi32>
    %shift_right_logical3A_143 = arith.constant 4 : i32
    %shift_right_logical3A_144 = vector.broadcast %shift_right_logical3A_143 : i32 to vector<4096x128xi32>
    %shift_right_logical3A_145 = arith.shrui %add3A_142, %shift_right_logical3A_144 : vector<4096x128xi32>
    %add3A_146 = arith.addi %add3A_142, %shift_right_logical3A_145 : vector<4096x128xi32>
    %and3A_147 = arith.constant 252645135 : i32
    %and3A_148 = vector.broadcast %and3A_147 : i32 to vector<4096x128xi32>
    %and3A_149 = arith.andi %add3A_146, %and3A_148 : vector<4096x128xi32>
    %shift_right_logical3A_150 = arith.constant 8 : i32
    %shift_right_logical3A_151 = vector.broadcast %shift_right_logical3A_150 : i32 to vector<4096x128xi32>
    %shift_right_logical3A_152 = arith.shrui %and3A_149, %shift_right_logical3A_151 : vector<4096x128xi32>
    %add3A_153 = arith.addi %and3A_149, %shift_right_logical3A_152 : vector<4096x128xi32>
    %shift_right_logical3A_154 = arith.constant 16 : i32
    %shift_right_logical3A_155 = vector.broadcast %shift_right_logical3A_154 : i32 to vector<4096x128xi32>
    %shift_right_logical3A_156 = arith.shrui %add3A_153, %shift_right_logical3A_155 : vector<4096x128xi32>
    %add3A_157 = arith.addi %add3A_153, %shift_right_logical3A_156 : vector<4096x128xi32>
    %and3A_158 = arith.constant 63 : i32
    %and3A_159 = vector.broadcast %and3A_158 : i32 to vector<4096x128xi32>
    %and3A_160 = arith.andi %add3A_157, %and3A_159 : vector<4096x128xi32>
    %convert_element_type3A_161 = arith.sitofp %and3A_160 : vector<4096x128xi32> to vector<4096x128xf32>
    %reduce_sum3A_162 = arith.constant dense<0.000000e+00> : vector<4096xf32>
    %reduce_sum3A_163 = vector.multi_reduction <add>, %convert_element_type3A_161, %reduce_sum3A_162 [1] : vector<4096x128xf32> to vector<4096xf32>
    %broadcast_in_dim3A_164 = vector.shape_cast %reduce_sum3A_163 : vector<4096xf32> to vector<4096x1xf32>
    %shift_right_logical3A_165 = arith.constant 1 : i32
    %shift_right_logical3A_166 = vector.broadcast %shift_right_logical3A_165 : i32 to vector<4096x128xi32>
    %shift_right_logical3A_167 = arith.shrui %get3A_1, %shift_right_logical3A_166 : vector<4096x128xi32>
    %and3A_168 = arith.constant 1431655765 : i32
    %and3A_169 = vector.broadcast %and3A_168 : i32 to vector<4096x128xi32>
    %and3A_170 = arith.andi %shift_right_logical3A_167, %and3A_169 : vector<4096x128xi32>
    %sub3A_171 = arith.subi %get3A_1, %and3A_170 : vector<4096x128xi32>
    %and3A_172 = arith.constant 858993459 : i32
    %and3A_173 = vector.broadcast %and3A_172 : i32 to vector<4096x128xi32>
    %and3A_174 = arith.andi %sub3A_171, %and3A_173 : vector<4096x128xi32>
    %shift_right_logical3A_175 = arith.constant 2 : i32
    %shift_right_logical3A_176 = vector.broadcast %shift_right_logical3A_175 : i32 to vector<4096x128xi32>
    %shift_right_logical3A_177 = arith.shrui %sub3A_171, %shift_right_logical3A_176 : vector<4096x128xi32>
    %and3A_178 = arith.constant 858993459 : i32
    %and3A_179 = vector.broadcast %and3A_178 : i32 to vector<4096x128xi32>
    %and3A_180 = arith.andi %shift_right_logical3A_177, %and3A_179 : vector<4096x128xi32>
    %add3A_181 = arith.addi %and3A_174, %and3A_180 : vector<4096x128xi32>
    %shift_right_logical3A_182 = arith.constant 4 : i32
    %shift_right_logical3A_183 = vector.broadcast %shift_right_logical3A_182 : i32 to vector<4096x128xi32>
    %shift_right_logical3A_184 = arith.shrui %add3A_181, %shift_right_logical3A_183 : vector<4096x128xi32>
    %add3A_185 = arith.addi %add3A_181, %shift_right_logical3A_184 : vector<4096x128xi32>
    %and3A_186 = arith.constant 252645135 : i32
    %and3A_187 = vector.broadcast %and3A_186 : i32 to vector<4096x128xi32>
    %and3A_188 = arith.andi %add3A_185, %and3A_187 : vector<4096x128xi32>
    %shift_right_logical3A_189 = arith.constant 8 : i32
    %shift_right_logical3A_190 = vector.broadcast %shift_right_logical3A_189 : i32 to vector<4096x128xi32>
    %shift_right_logical3A_191 = arith.shrui %and3A_188, %shift_right_logical3A_190 : vector<4096x128xi32>
    %add3A_192 = arith.addi %and3A_188, %shift_right_logical3A_191 : vector<4096x128xi32>
    %shift_right_logical3A_193 = arith.constant 16 : i32
    %shift_right_logical3A_194 = vector.broadcast %shift_right_logical3A_193 : i32 to vector<4096x128xi32>
    %shift_right_logical3A_195 = arith.shrui %add3A_192, %shift_right_logical3A_194 : vector<4096x128xi32>
    %add3A_196 = arith.addi %add3A_192, %shift_right_logical3A_195 : vector<4096x128xi32>
    %and3A_197 = arith.constant 63 : i32
    %and3A_198 = vector.broadcast %and3A_197 : i32 to vector<4096x128xi32>
    %and3A_199 = arith.andi %add3A_196, %and3A_198 : vector<4096x128xi32>
    %convert_element_type3A_200 = arith.sitofp %and3A_199 : vector<4096x128xi32> to vector<4096x128xf32>
    %reduce_sum3A_201 = arith.constant dense<0.000000e+00> : vector<4096xf32>
    %reduce_sum3A_202 = vector.multi_reduction <add>, %convert_element_type3A_200, %reduce_sum3A_201 [1] : vector<4096x128xf32> to vector<4096xf32>
    %broadcast_in_dim3A_203 = vector.shape_cast %reduce_sum3A_202 : vector<4096xf32> to vector<4096x1xf32>
    %shift_right_logical3A_204 = arith.constant 1 : i32
    %shift_right_logical3A_205 = vector.broadcast %shift_right_logical3A_204 : i32 to vector<4096x128xi32>
    %shift_right_logical3A_206 = arith.shrui %get3A_4, %shift_right_logical3A_205 : vector<4096x128xi32>
    %and3A_207 = arith.constant 1431655765 : i32
    %and3A_208 = vector.broadcast %and3A_207 : i32 to vector<4096x128xi32>
    %and3A_209 = arith.andi %shift_right_logical3A_206, %and3A_208 : vector<4096x128xi32>
    %sub3A_210 = arith.subi %get3A_4, %and3A_209 : vector<4096x128xi32>
    %and3A_211 = arith.constant 858993459 : i32
    %and3A_212 = vector.broadcast %and3A_211 : i32 to vector<4096x128xi32>
    %and3A_213 = arith.andi %sub3A_210, %and3A_212 : vector<4096x128xi32>
    %shift_right_logical3A_214 = arith.constant 2 : i32
    %shift_right_logical3A_215 = vector.broadcast %shift_right_logical3A_214 : i32 to vector<4096x128xi32>
    %shift_right_logical3A_216 = arith.shrui %sub3A_210, %shift_right_logical3A_215 : vector<4096x128xi32>
    %and3A_217 = arith.constant 858993459 : i32
    %and3A_218 = vector.broadcast %and3A_217 : i32 to vector<4096x128xi32>
    %and3A_219 = arith.andi %shift_right_logical3A_216, %and3A_218 : vector<4096x128xi32>
    %add3A_220 = arith.addi %and3A_213, %and3A_219 : vector<4096x128xi32>
    %shift_right_logical3A_221 = arith.constant 4 : i32
    %shift_right_logical3A_222 = vector.broadcast %shift_right_logical3A_221 : i32 to vector<4096x128xi32>
    %shift_right_logical3A_223 = arith.shrui %add3A_220, %shift_right_logical3A_222 : vector<4096x128xi32>
    %add3A_224 = arith.addi %add3A_220, %shift_right_logical3A_223 : vector<4096x128xi32>
    %and3A_225 = arith.constant 252645135 : i32
    %and3A_226 = vector.broadcast %and3A_225 : i32 to vector<4096x128xi32>
    %and3A_227 = arith.andi %add3A_224, %and3A_226 : vector<4096x128xi32>
    %shift_right_logical3A_228 = arith.constant 8 : i32
    %shift_right_logical3A_229 = vector.broadcast %shift_right_logical3A_228 : i32 to vector<4096x128xi32>
    %shift_right_logical3A_230 = arith.shrui %and3A_227, %shift_right_logical3A_229 : vector<4096x128xi32>
    %add3A_231 = arith.addi %and3A_227, %shift_right_logical3A_230 : vector<4096x128xi32>
    %shift_right_logical3A_232 = arith.constant 16 : i32
    %shift_right_logical3A_233 = vector.broadcast %shift_right_logical3A_232 : i32 to vector<4096x128xi32>
    %shift_right_logical3A_234 = arith.shrui %add3A_231, %shift_right_logical3A_233 : vector<4096x128xi32>
    %add3A_235 = arith.addi %add3A_231, %shift_right_logical3A_234 : vector<4096x128xi32>
    %and3A_236 = arith.constant 63 : i32
    %and3A_237 = vector.broadcast %and3A_236 : i32 to vector<4096x128xi32>
    %and3A_238 = arith.andi %add3A_235, %and3A_237 : vector<4096x128xi32>
    %convert_element_type3A_239 = arith.sitofp %and3A_238 : vector<4096x128xi32> to vector<4096x128xf32>
    %reduce_sum3A_240 = arith.constant dense<0.000000e+00> : vector<4096xf32>
    %reduce_sum3A_241 = vector.multi_reduction <add>, %convert_element_type3A_239, %reduce_sum3A_240 [1] : vector<4096x128xf32> to vector<4096xf32>
    %broadcast_in_dim3A_242 = vector.shape_cast %reduce_sum3A_241 : vector<4096xf32> to vector<4096x1xf32>
    %shift_right_logical3A_243 = arith.constant 1 : i32
    %shift_right_logical3A_244 = vector.broadcast %shift_right_logical3A_243 : i32 to vector<4096x128xi32>
    %shift_right_logical3A_245 = arith.shrui %get3A_7, %shift_right_logical3A_244 : vector<4096x128xi32>
    %and3A_246 = arith.constant 1431655765 : i32
    %and3A_247 = vector.broadcast %and3A_246 : i32 to vector<4096x128xi32>
    %and3A_248 = arith.andi %shift_right_logical3A_245, %and3A_247 : vector<4096x128xi32>
    %sub3A_249 = arith.subi %get3A_7, %and3A_248 : vector<4096x128xi32>
    %and3A_250 = arith.constant 858993459 : i32
    %and3A_251 = vector.broadcast %and3A_250 : i32 to vector<4096x128xi32>
    %and3A_252 = arith.andi %sub3A_249, %and3A_251 : vector<4096x128xi32>
    %shift_right_logical3A_253 = arith.constant 2 : i32
    %shift_right_logical3A_254 = vector.broadcast %shift_right_logical3A_253 : i32 to vector<4096x128xi32>
    %shift_right_logical3A_255 = arith.shrui %sub3A_249, %shift_right_logical3A_254 : vector<4096x128xi32>
    %and3A_256 = arith.constant 858993459 : i32
    %and3A_257 = vector.broadcast %and3A_256 : i32 to vector<4096x128xi32>
    %and3A_258 = arith.andi %shift_right_logical3A_255, %and3A_257 : vector<4096x128xi32>
    %add3A_259 = arith.addi %and3A_252, %and3A_258 : vector<4096x128xi32>
    %shift_right_logical3A_260 = arith.constant 4 : i32
    %shift_right_logical3A_261 = vector.broadcast %shift_right_logical3A_260 : i32 to vector<4096x128xi32>
    %shift_right_logical3A_262 = arith.shrui %add3A_259, %shift_right_logical3A_261 : vector<4096x128xi32>
    %add3A_263 = arith.addi %add3A_259, %shift_right_logical3A_262 : vector<4096x128xi32>
    %and3A_264 = arith.constant 252645135 : i32
    %and3A_265 = vector.broadcast %and3A_264 : i32 to vector<4096x128xi32>
    %and3A_266 = arith.andi %add3A_263, %and3A_265 : vector<4096x128xi32>
    %shift_right_logical3A_267 = arith.constant 8 : i32
    %shift_right_logical3A_268 = vector.broadcast %shift_right_logical3A_267 : i32 to vector<4096x128xi32>
    %shift_right_logical3A_269 = arith.shrui %and3A_266, %shift_right_logical3A_268 : vector<4096x128xi32>
    %add3A_270 = arith.addi %and3A_266, %shift_right_logical3A_269 : vector<4096x128xi32>
    %shift_right_logical3A_271 = arith.constant 16 : i32
    %shift_right_logical3A_272 = vector.broadcast %shift_right_logical3A_271 : i32 to vector<4096x128xi32>
    %shift_right_logical3A_273 = arith.shrui %add3A_270, %shift_right_logical3A_272 : vector<4096x128xi32>
    %add3A_274 = arith.addi %add3A_270, %shift_right_logical3A_273 : vector<4096x128xi32>
    %and3A_275 = arith.constant 63 : i32
    %and3A_276 = vector.broadcast %and3A_275 : i32 to vector<4096x128xi32>
    %and3A_277 = arith.andi %add3A_274, %and3A_276 : vector<4096x128xi32>
    %convert_element_type3A_278 = arith.sitofp %and3A_277 : vector<4096x128xi32> to vector<4096x128xf32>
    %reduce_sum3A_279 = arith.constant dense<0.000000e+00> : vector<4096xf32>
    %reduce_sum3A_280 = vector.multi_reduction <add>, %convert_element_type3A_278, %reduce_sum3A_279 [1] : vector<4096x128xf32> to vector<4096xf32>
    %broadcast_in_dim3A_281 = vector.shape_cast %reduce_sum3A_280 : vector<4096xf32> to vector<4096x1xf32>
    %shift_right_logical3A_282 = arith.constant 1 : i32
    %shift_right_logical3A_283 = vector.broadcast %shift_right_logical3A_282 : i32 to vector<4096x128xi32>
    %shift_right_logical3A_284 = arith.shrui %get3A_10, %shift_right_logical3A_283 : vector<4096x128xi32>
    %and3A_285 = arith.constant 1431655765 : i32
    %and3A_286 = vector.broadcast %and3A_285 : i32 to vector<4096x128xi32>
    %and3A_287 = arith.andi %shift_right_logical3A_284, %and3A_286 : vector<4096x128xi32>
    %sub3A_288 = arith.subi %get3A_10, %and3A_287 : vector<4096x128xi32>
    %and3A_289 = arith.constant 858993459 : i32
    %and3A_290 = vector.broadcast %and3A_289 : i32 to vector<4096x128xi32>
    %and3A_291 = arith.andi %sub3A_288, %and3A_290 : vector<4096x128xi32>
    %shift_right_logical3A_292 = arith.constant 2 : i32
    %shift_right_logical3A_293 = vector.broadcast %shift_right_logical3A_292 : i32 to vector<4096x128xi32>
    %shift_right_logical3A_294 = arith.shrui %sub3A_288, %shift_right_logical3A_293 : vector<4096x128xi32>
    %and3A_295 = arith.constant 858993459 : i32
    %and3A_296 = vector.broadcast %and3A_295 : i32 to vector<4096x128xi32>
    %and3A_297 = arith.andi %shift_right_logical3A_294, %and3A_296 : vector<4096x128xi32>
    %add3A_298 = arith.addi %and3A_291, %and3A_297 : vector<4096x128xi32>
    %shift_right_logical3A_299 = arith.constant 4 : i32
    %shift_right_logical3A_300 = vector.broadcast %shift_right_logical3A_299 : i32 to vector<4096x128xi32>
    %shift_right_logical3A_301 = arith.shrui %add3A_298, %shift_right_logical3A_300 : vector<4096x128xi32>
    %add3A_302 = arith.addi %add3A_298, %shift_right_logical3A_301 : vector<4096x128xi32>
    %and3A_303 = arith.constant 252645135 : i32
    %and3A_304 = vector.broadcast %and3A_303 : i32 to vector<4096x128xi32>
    %and3A_305 = arith.andi %add3A_302, %and3A_304 : vector<4096x128xi32>
    %shift_right_logical3A_306 = arith.constant 8 : i32
    %shift_right_logical3A_307 = vector.broadcast %shift_right_logical3A_306 : i32 to vector<4096x128xi32>
    %shift_right_logical3A_308 = arith.shrui %and3A_305, %shift_right_logical3A_307 : vector<4096x128xi32>
    %add3A_309 = arith.addi %and3A_305, %shift_right_logical3A_308 : vector<4096x128xi32>
    %shift_right_logical3A_310 = arith.constant 16 : i32
    %shift_right_logical3A_311 = vector.broadcast %shift_right_logical3A_310 : i32 to vector<4096x128xi32>
    %shift_right_logical3A_312 = arith.shrui %add3A_309, %shift_right_logical3A_311 : vector<4096x128xi32>
    %add3A_313 = arith.addi %add3A_309, %shift_right_logical3A_312 : vector<4096x128xi32>
    %and3A_314 = arith.constant 63 : i32
    %and3A_315 = vector.broadcast %and3A_314 : i32 to vector<4096x128xi32>
    %and3A_316 = arith.andi %add3A_313, %and3A_315 : vector<4096x128xi32>
    %convert_element_type3A_317 = arith.sitofp %and3A_316 : vector<4096x128xi32> to vector<4096x128xf32>
    %reduce_sum3A_318 = arith.constant dense<0.000000e+00> : vector<4096xf32>
    %reduce_sum3A_319 = vector.multi_reduction <add>, %convert_element_type3A_317, %reduce_sum3A_318 [1] : vector<4096x128xf32> to vector<4096xf32>
    %broadcast_in_dim3A_320 = vector.shape_cast %reduce_sum3A_319 : vector<4096xf32> to vector<4096x1xf32>
    %get3A_321 = arith.constant 0 : index
    %get3A_322 = arith.constant 0 : index
    %get3A_323 = vector.load %arg4[%get3A_321, %get3A_322] : memref<4096x128xi32, #tpu.memory_space<vmem>>, vector<4096x128xi32>
    %iota3A = tpu.iota {dimensions = array<i32: 1>} : vector<4096x128xi32>
    %and3A_324 = arith.constant 127 : i32
    %and3A_325 = vector.broadcast %and3A_324 : i32 to vector<4096x128xi32>
    %and3A_326 = arith.andi %get3A_323, %and3A_325 : vector<4096x128xi32>
    %eq3A = arith.cmpi eq, %iota3A, %and3A_326 : vector<4096x128xi32>
    %broadcast_in_dim3A_327 = arith.constant 1 : i32
    %broadcast_in_dim3A_328 = vector.broadcast %broadcast_in_dim3A_327 : i32 to vector<4096x128xi32>
    %shift_right_logical3A_329 = arith.constant 7 : i32
    %shift_right_logical3A_330 = vector.broadcast %shift_right_logical3A_329 : i32 to vector<4096x128xi32>
    %shift_right_logical3A_331 = arith.shrui %get3A_323, %shift_right_logical3A_330 : vector<4096x128xi32>
    %shift_left3A = arith.shli %broadcast_in_dim3A_328, %shift_right_logical3A_331 : vector<4096x128xi32>
    %jit3A = arith.constant 0 : i32
    %broadcast_in_dim3A_332 = vector.broadcast %jit3A : i32 to vector<4096x128xi32>
    %select_n3A = arith.select %eq3A, %shift_left3A, %broadcast_in_dim3A_332 : vector<4096x128xi1>, vector<4096x128xi32>
    %and3A_333 = arith.andi %get3A_1, %select_n3A : vector<4096x128xi32>
    %ne3A = arith.constant 0 : i32
    %ne3A_334 = vector.broadcast %ne3A : i32 to vector<4096x128xi32>
    %ne3A_335 = arith.cmpi ne, %and3A_333, %ne3A_334 : vector<4096x128xi32>
    %convert_element_type3A_336 = arith.extui %ne3A_335 : vector<4096x128xi1> to vector<4096x128xi32>
    %convert_element_type3A_337 = arith.sitofp %convert_element_type3A_336 : vector<4096x128xi32> to vector<4096x128xf32>
    %reduce_sum3A_338 = arith.constant dense<0.000000e+00> : vector<4096xf32>
    %reduce_sum3A_339 = vector.multi_reduction <add>, %convert_element_type3A_337, %reduce_sum3A_338 [1] : vector<4096x128xf32> to vector<4096xf32>
    %broadcast_in_dim3A_340 = vector.shape_cast %reduce_sum3A_339 : vector<4096xf32> to vector<4096x1xf32>
    %and3A_341 = arith.andi %get3A_7, %select_n3A : vector<4096x128xi32>
    %ne3A_342 = arith.constant 0 : i32
    %ne3A_343 = vector.broadcast %ne3A_342 : i32 to vector<4096x128xi32>
    %ne3A_344 = arith.cmpi ne, %and3A_341, %ne3A_343 : vector<4096x128xi32>
    %convert_element_type3A_345 = arith.extui %ne3A_344 : vector<4096x128xi1> to vector<4096x128xi32>
    %convert_element_type3A_346 = arith.sitofp %convert_element_type3A_345 : vector<4096x128xi32> to vector<4096x128xf32>
    %reduce_sum3A_347 = arith.constant dense<0.000000e+00> : vector<4096xf32>
    %reduce_sum3A_348 = vector.multi_reduction <add>, %convert_element_type3A_346, %reduce_sum3A_347 [1] : vector<4096x128xf32> to vector<4096xf32>
    %broadcast_in_dim3A_349 = vector.shape_cast %reduce_sum3A_348 : vector<4096xf32> to vector<4096x1xf32>
    %add3A_350 = arith.addf %broadcast_in_dim3A_203, %broadcast_in_dim3A_242 : vector<4096x1xf32>
    %mul3A = arith.constant 2.000000e+00 : f32
    %mul3A_351 = vector.broadcast %mul3A : f32 to vector<4096x1xf32>
    %mul3A_352 = arith.mulf %mul3A_351, %broadcast_in_dim3A_340 : vector<4096x1xf32>
    %sub3A_353 = arith.subf %add3A_350, %mul3A_352 : vector<4096x1xf32>
    %mul3A_354 = arith.constant 2.000000e+00 : f32
    %mul3A_355 = vector.broadcast %mul3A_354 : f32 to vector<4096x1xf32>
    %mul3A_356 = arith.mulf %mul3A_355, %broadcast_in_dim3A : vector<4096x1xf32>
    %sub3A_357 = arith.subf %sub3A_353, %mul3A_356 : vector<4096x1xf32>
    %sub3A_358 = arith.subf %sub3A_357, %add3A_124 : vector<4096x1xf32>
    %add3A_359 = arith.addf %broadcast_in_dim3A_281, %broadcast_in_dim3A_320 : vector<4096x1xf32>
    %mul3A_360 = arith.constant 2.000000e+00 : f32
    %mul3A_361 = vector.broadcast %mul3A_360 : f32 to vector<4096x1xf32>
    %mul3A_362 = arith.mulf %mul3A_361, %broadcast_in_dim3A_349 : vector<4096x1xf32>
    %sub3A_363 = arith.subf %add3A_359, %mul3A_362 : vector<4096x1xf32>
    %mul3A_364 = arith.constant 2.000000e+00 : f32
    %mul3A_365 = vector.broadcast %mul3A_364 : f32 to vector<4096x1xf32>
    %mul3A_366 = arith.mulf %mul3A_365, %broadcast_in_dim3A_164 : vector<4096x1xf32>
    %sub3A_367 = arith.subf %sub3A_363, %mul3A_366 : vector<4096x1xf32>
    %sub3A_368 = arith.subf %sub3A_367, %add3A_124 : vector<4096x1xf32>
    %broadcast_in_dim3A_369 = arith.constant 1.000000e+00 : f32
    %broadcast_in_dim3A_370 = vector.broadcast %broadcast_in_dim3A_369 : f32 to vector<4096x1xf32>
    %broadcast_in_dim3A_371 = arith.constant 0.000000e+00 : f32
    %broadcast_in_dim3A_372 = vector.broadcast %broadcast_in_dim3A_371 : f32 to vector<4096x1xf32>
    %concatenate3A = tpu.concatenate %broadcast_in_dim3A, %add3A_124, %sub3A_358, %broadcast_in_dim3A_164, %sub3A_368, %broadcast_in_dim3A_370, %broadcast_in_dim3A_372, %broadcast_in_dim3A_372 in 1 : vector<4096x1xf32>, vector<4096x1xf32>, vector<4096x1xf32>, vector<4096x1xf32>, vector<4096x1xf32>, vector<4096x1xf32>, vector<4096x1xf32>, vector<4096x1xf32> -> vector<4096x8xf32>
    %get3A_373 = arith.constant 0 : index
    %get3A_374 = arith.constant 0 : index
    %get3A_375 = vector.load %arg5[%get3A_373, %get3A_374] : memref<4096x128xf32, #tpu.memory_space<vmem>>, vector<4096x128xf32>
    %get3A_376 = arith.constant 0 : index
    %get3A_377 = arith.constant 0 : index
    %get3A_378 = vector.load %arg6[%get3A_376, %get3A_377] : memref<4096x128xf32, #tpu.memory_space<vmem>>, vector<4096x128xf32>
    %mul3A_379 = arith.mulf %get3A_375, %get3A_378 : vector<4096x128xf32>
    %get3A_380 = arith.constant 0 : index
    %get3A_381 = arith.constant 0 : index
    %get3A_382 = vector.load %arg7[%get3A_380, %get3A_381] : memref<256x128xf32, #tpu.memory_space<vmem>>, vector<256x128xf32>
    %dot_general3A = arith.constant dense<0.000000e+00> : vector<4096x256xf32>
    %dot_general3A_383 = tpu.matmul %mul3A_379, %get3A_382, %dot_general3A {dimension_numbers = #tpu.dot_dimension_numbers<[1], [1], [0], [0], [0, 0, 1, 0], [], []>, transpose_lhs_hint = false} : vector<4096x128xf32>, vector<256x128xf32>, vector<4096x256xf32> -> vector<4096x256xf32>
    %get3A_384 = arith.constant 0 : index
    %get3A_385 = arith.constant 0 : index
    %get3A_386 = vector.load %arg8[%get3A_384, %get3A_385] : memref<8x256xf32, #tpu.memory_space<vmem>>, vector<8x256xf32>
    %dot_general3A_387 = arith.constant dense<0.000000e+00> : vector<4096x256xf32>
    %dot_general3A_388 = tpu.matmul %concatenate3A, %get3A_386, %dot_general3A_387 {dimension_numbers = #tpu.dot_dimension_numbers<[1], [0], [0], [1], [0, 0, 1, 1], [], []>, transpose_lhs_hint = false} : vector<4096x8xf32>, vector<8x256xf32>, vector<4096x256xf32> -> vector<4096x256xf32>
    %add3A_389 = arith.addf %dot_general3A_383, %dot_general3A_388 : vector<4096x256xf32>
    %max3A = arith.constant 0.000000e+00 : f32
    %max3A_390 = vector.broadcast %max3A : f32 to vector<4096x256xf32>
    %max3A_391 = arith.maximumf %add3A_389, %max3A_390 : vector<4096x256xf32>
    %get3A_392 = arith.constant 0 : index
    %get3A_393 = arith.constant 0 : index
    %get3A_394 = vector.load %arg9[%get3A_392, %get3A_393] : memref<256x256xf32, #tpu.memory_space<vmem>>, vector<256x256xf32>
    %dot_general3A_395 = arith.constant dense<0.000000e+00> : vector<4096x256xf32>
    %dot_general3A_396 = tpu.matmul %max3A_391, %get3A_394, %dot_general3A_395 {dimension_numbers = #tpu.dot_dimension_numbers<[1], [1], [0], [0], [0, 0, 1, 0], [], []>, transpose_lhs_hint = false} : vector<4096x256xf32>, vector<256x256xf32>, vector<4096x256xf32> -> vector<4096x256xf32>
    %get3A_397 = arith.constant 0 : index
    %get3A_398 = arith.constant 0 : index
    %get3A_399 = vector.load %arg10[%get3A_397, %get3A_398] : memref<4096x256xf32, #tpu.memory_space<vmem>>, vector<4096x256xf32>
    %add3A_400 = arith.addf %dot_general3A_396, %get3A_399 : vector<4096x256xf32>
    %max3A_401 = arith.constant 0.000000e+00 : f32
    %max3A_402 = vector.broadcast %max3A_401 : f32 to vector<4096x256xf32>
    %max3A_403 = arith.maximumf %add3A_400, %max3A_402 : vector<4096x256xf32>
    %convert_element_type3A_404 = arith.truncf %max3A_403 : vector<4096x256xf32> to vector<4096x256xbf16>
    %convert_element_type3A_405 = arith.extf %convert_element_type3A_404 : vector<4096x256xbf16> to vector<4096x256xf32>
    %get3A_406 = arith.constant 0 : index
    %get3A_407 = arith.constant 0 : index
    %get3A_408 = vector.load %arg11[%get3A_406, %get3A_407] : memref<4096x256xf32, #tpu.memory_space<vmem>>, vector<4096x256xf32>
    %convert_element_type3A_409 = arith.truncf %get3A_408 : vector<4096x256xf32> to vector<4096x256xbf16>
    %convert_element_type3A_410 = arith.extf %convert_element_type3A_409 : vector<4096x256xbf16> to vector<4096x256xf32>
    %mul3A_411 = arith.mulf %convert_element_type3A_405, %convert_element_type3A_410 : vector<4096x256xf32>
    %reduce_sum3A_412 = arith.constant dense<0.000000e+00> : vector<4096xf32>
    %reduce_sum3A_413 = vector.multi_reduction <add>, %mul3A_411, %reduce_sum3A_412 [1] : vector<4096x256xf32> to vector<4096xf32>
    %broadcast_in_dim3A_414 = vector.shape_cast %reduce_sum3A_413 : vector<4096xf32> to vector<4096x1xf32>
    %broadcast_in_dim3A_415 = arith.constant 0.000000e+00 : f32
    %broadcast_in_dim3A_416 = vector.broadcast %broadcast_in_dim3A_415 : f32 to vector<4096x1xf32>
    %concatenate3A_417 = tpu.concatenate %broadcast_in_dim3A_414, %broadcast_in_dim3A_416, %broadcast_in_dim3A_416, %broadcast_in_dim3A_416, %broadcast_in_dim3A_416, %broadcast_in_dim3A_416, %broadcast_in_dim3A_416, %broadcast_in_dim3A_416 in 1 : vector<4096x1xf32>, vector<4096x1xf32>, vector<4096x1xf32>, vector<4096x1xf32>, vector<4096x1xf32>, vector<4096x1xf32>, vector<4096x1xf32>, vector<4096x1xf32> -> vector<4096x8xf32>
    %swap3A = arith.constant 0 : index
    %swap3A_418 = arith.constant 0 : index
    %swap3A_419 = vector.load %arg12[%swap3A, %swap3A_418] : memref<4096x8xf32, #tpu.memory_space<vmem>>, vector<4096x8xf32>
    tpu.vector_store %arg12[%swap3A, %swap3A_418], %concatenate3A_417 {strides = array<i32>} : memref<4096x8xf32, #tpu.memory_space<vmem>>, vector<4096x8xf32>,
    return
  }
}

</mosaic_0001>

<sc_bundles>
// kernel: kernel.10.cloned.1.call-start
scs
__scs_entry_jumppad:
0x0: {  	(pc) =	sbr.rel $0x88, $3  }
0x1: {  	(tag) =	ssettag $0x0;
	lr =	simm.s32 $0x1  }
0x2: {  	[smem:$0x3F98] =	sst lr;
	_ =	strace $0xD0000000  }
0x3: {  	_ = 	snop  }
0x4: {  	_ = 	snop  }
0x5: {  	_ = 	snop  }
0x6: {  	_ = 	snop  }
0x7: {  	_ = 	snop  }
__scs_overlays_trampoline_lowered:
0x8: {  	[smem:$0x3FA7] =	sst s0  }
0x9: {  	[smem:$0x3FA8] =	sst s1  }
0xa: {  	[smem:$0x3FA9] =	sst s2  }
0xb: {  	[smem:$0x3FAA] =	sst s3  }
0xc: {  	[smem:$0x3FAB] =	sst s4  }
0xd: {  	[smem:$0x3FAC] =	sst s5  }
0xe: {  	[smem:$0x3FAD] =	sst s6  }
0xf: {  	[smem:$0x3FAE] =	sst s7  }
0x10: {  	[smem:$0x3FAF] =	sst s8  }
0x11: {  	[smem:$0x3FB0] =	sst s9;
	s0 =	simm.s32 @!p0 $0x0  }
0x12: {  	s1 =	sld [smem:$0x3F96];
	s0 =	simm.s32 @p0 $0x1  }
0x13: {  	[smem:$0x3FB1] =	sst s0;
	s0 =	simm.s32 @!p1 $0x0  }
0x14: {  	s2 =	sld [smem:$0x3F95];
	s0 =	simm.s32 @p1 $0x1  }
0x15: {  	[smem:$0x3FB2] =	sst s0;
	s0 =	simm.s32 @!p2 $0x0  }
0x16: {  	s3 =	sld [smem:$0x3FDB];
	s0 =	simm.s32 @p2 $0x1  }
0x17: {  	s4 =	simm.s32 $0x1BF5;
	[smem:$0x3FB4] =	sst s0  }
0x18: {  	s0 =	sld [smem:$0x3F97];
	_ =	swait.ge [sflag:s4], $0x0  }
0x19: {  	s7 =	sld [smem:$0x3F98]  }
0x1a: {  	s8 =	sadd.s32 $0xFFFFE003, lr  }
0x1b: {  	s9 =	sadd.s32 $0xFFFFFEF7, lr;
	s5 =	simm.s32 $0xFFFFFFFF;
	p2 =	slt.u32 s8, $0xFFFFF086  }
0x1c: {  	p1 =	slt.u32 s9, $0xF7A;
	s5 =	simm.s32 @!p2 $0x0  }
0x1d: {  	s5 =	simm.s32 @p1 $0x1;
	p0 =	seq.s32 s7, s2  }
0x1e: {  	s7 =	smul.u32 @!p0 $0xF7A, s2;
	p2 =	seq.s32 @!p0 s5, $0x0  }
0x1f: {  	s9 =	smul.u32 $0xF7A, s1;
	s8 =	simm.s32 @!p0 $0x1BF5;
	p2 =	por !p2, p0  }
0x20: {  	[sflag:s8] =	ssyncset.s32 @!p0 $0xFFFFF086;
	s6 =	sadd.s32 @!p0 s3, s7;
	s7 =	simm.s32 @!p0 $0x108  }
0x21: {  	s3 =	sadd.s32 s3, s9;
	s6 =	sadd.s32 @!p0 $0x88, s6;
	s7 =	simm.s32 @p2 $0x1082  }
0x22: {  	[simem:s7], [sflag:s8] =	dma.local @!p0 [hbm:s6], $0xF7A  }
0x23: {  	s9 =	sor.u32 $0xD0000000, s2;
	s6 =	simm.s32 $0x108;
	_ =	swait.ge @!p0 [sflag:s8], $0x0  }
0x24: {  	s3 =	sadd.s32 $0x88, s3;
	s6 =	simm.s32 @!p1 $0x1082;
	[sflag:s4] =	ssyncset.s32 $0xFFFFF086  }
0x25: {  	[simem:s6], [sflag:s4] =	dma.local [hbm:s3], $0xF7A  }
0x26: {  	[smem:$0x3F98] =	sst s1;
	(tag) =	ssettag s2;
	_ =	strace s9  }
0x27: {  	s1 =	sld [smem:$0x3FA8]  }
0x28: {  	s2 =	sld [smem:$0x3FA9]  }
0x29: {  	s4 =	sld [smem:$0x3FAB]  }
0x2a: {  	p0 =	seq.s32 s5, $0x0;
	s5 =	sld [smem:$0x3FAC]  }
0x2b: {  	s6 =	sld [smem:$0x3FAD]  }
0x2c: {  	s7 =	sld [smem:$0x3FAE]  }
0x2d: {  	s3 =	simm.s32 $0x108;
	s8 =	sld [smem:$0x3FAF]  }
0x2e: {  	s3 =	simm.s32 @!p0 $0x1082;
	s9 =	sld [smem:$0x3FB0]  }
0x2f: {  	lr =	sadd.s32 s0, s3;
	s0 =	sld [smem:$0x3FA7]  }
0x30: {  	s3 =	sld [smem:$0x3FAA]  }
0x31: {  	[smem:$0x3FB3] =	sst s10  }
0x32: {  	s10 =	sld [smem:$0x3FB1];
	_ =	sdelay $0x3  }
0x33: {  	p0 =	seq.s32 s10, $0x1;
	s10 =	sld [smem:$0x3FB3];
	_ =	sdelay $0x3  }
0x34: {  	[smem:$0x3FB3] =	sst s10  }
0x35: {  	s10 =	sld [smem:$0x3FB2];
	_ =	sdelay $0x3  }
0x36: {  	p1 =	seq.s32 s10, $0x1;
	s10 =	sld [smem:$0x3FB3];
	_ =	sdelay $0x3  }
0x37: {  	[smem:$0x3FB3] =	sst s10  }
0x38: {  	s10 =	sld [smem:$0x3FB4]  }
0x39: {  	_ = 	snop;
	(pc) =	sbr.ind lr, $3  }
0x3a: {  	_ = 	snop  }
0x3b: {  	_ = 	snop  }
0x3c: {  	p2 =	seq.s32 s10, $0x1;
	s10 =	sld [smem:$0x3FB3]  }
0x3d: {  	_ =	shalt  }
0x3e: {  	_ =	shalt  }
0x3f: {  	_ =	shalt  }
0x40: {  	_ =	shalt  }
0x41: {  	_ =	shalt  }
0x42: {  	_ =	shalt  }
0x43: {  	_ =	shalt  }
0x44: {  	_ =	shalt  }
0x45: {  	_ =	shalt  }
0x46: {  	_ =	shalt  }
0x47: {  	_ =	shalt  }
0x48: {  	_ =	shalt  }
0x49: {  	_ =	shalt  }
0x4a: {  	_ =	shalt  }
0x4b: {  	_ =	shalt  }
0x4c: {  	_ =	shalt  }
0x4d: {  	_ =	shalt  }
0x4e: {  	_ =	shalt  }
0x4f: {  	_ =	shalt  }
0x50: {  	_ =	shalt  }
0x51: {  	_ =	shalt  }
0x52: {  	_ =	shalt  }
0x53: {  	_ =	shalt  }
0x54: {  	_ =	shalt  }
0x55: {  	_ =	shalt  }
0x56: {  	_ =	shalt  }
0x57: {  	_ =	shalt  }
0x58: {  	_ =	shalt  }
0x59: {  	_ =	shalt  }
0x5a: {  	_ =	shalt  }
0x5b: {  	_ =	shalt  }
0x5c: {  	_ =	shalt  }
0x5d: {  	_ =	shalt  }
0x5e: {  	_ =	shalt  }
0x5f: {  	_ =	shalt  }
0x60: {  	_ =	shalt  }
0x61: {  	_ =	shalt  }
0x62: {  	_ =	shalt  }
0x63: {  	_ =	shalt  }
0x64: {  	_ =	shalt  }
0x65: {  	_ =	shalt  }
0x66: {  	_ =	shalt  }
0x67: {  	_ =	shalt  }
0x68: {  	_ =	shalt  }
0x69: {  	_ =	shalt  }
0x6a: {  	_ =	shalt  }
0x6b: {  	_ =	shalt  }
0x6c: {  	_ =	shalt  }
0x6d: {  	_ =	shalt  }
0x6e: {  	_ =	shalt  }
0x6f: {  	_ =	shalt  }
0x70: {  	_ =	shalt  }
0x71: {  	_ =	shalt  }
0x72: {  	_ =	shalt  }
0x73: {  	_ =	shalt  }
0x74: {  	_ =	shalt  }
0x75: {  	_ =	shalt  }
0x76: {  	_ =	shalt  }
0x77: {  	_ =	shalt  }
0x78: {  	_ =	shalt  }
0x79: {  	_ =	shalt  }
0x7a: {  	_ =	shalt  }
0x7b: {  	_ =	shalt  }
0x7c: {  	_ =	shalt  }
0x7d: {  	_ =	shalt  }
0x7e: {  	_ =	shalt  }
0x7f: {  	_ =	shalt  }
0x80: {  	_ =	shalt  }
0x81: {  	_ =	shalt  }
0x82: {  	_ =	shalt  }
0x83: {  	_ =	shalt  }
0x84: {  	_ =	shalt  }
0x85: {  	_ =	shalt  }
0x86: {  	_ =	shalt  }
0x87: {  	_ =	shalt  }
.Lfunc_end0:
.L_simem_size_0:
called_computation.1_lowered:
.L_overlay_start_0:
0x88: {  	s2 =	sld [smem:$0x3FD9]  }
0x89: {  	s3 =	sld [smem:$0x3FFE];
	_ =	sdelay $0x1  }
0x8a: {  	s1 =	srdreg.scid  }
0x8b: {  	s0 =	sand.u32 $0x1, s1  }
0x8c: {  	s17 =	sshll.u32 s0, $0xA;
	s2 =	sadd.s32 s3, s2  }
0x8d: {  	s2 =	sadd.s32 s2, s17  }
0x8e: {  	[smem:$0x3FBF] =	sst s2  }
0x8f: {  	_ = 	snop  }
0x90: {  	s18 =	sld [smem:$0x3FD0];
	(tm) =	ssettm $0x1  }
0x91: {  	s19 =	sld [smem:$0x3FFB];
	_ =	sdelay $0x3  }
0x92: {  	_ =	strace s19  }
0x93: {  	s2 =	sld [smem:$0x3FFC];
	_ =	sdelay $0x3  }
0x94: {  	_ =	strace s2  }
0x95: {  	s2 =	sld [smem:$0x3FFD];
	_ =	sdelay $0x3  }
0x96: {  	_ =	strace s2  }
0x97: {  	_ =	strace $0x8FFFFFFF  }
0x98: {  	s20 =	sld [smem:$0x3FDB];
	_ =	sdelay $0x1  }
0x99: {  	s4 =	simm.s32 $_scs_section_size  }
0x9a: {  	s5 =	simm.s32 $_size__tile_overlayer_lowered;
	s6 =	simm.s32 $_tile_overlayer_lowered  }
0x9b: {  	s7 =	simm.s32 $0x1BFF;
	s21 =	sshll.u32 s6, $0x1;
	s4 =	sadd.s32 s4, s20  }
0x9c: {  	s22 =	simm.s32 $0x0;
	s5 =	sshll.u32 s5, $0x1;
	s6 =	sadd.s32 s21, s4  }
0x9d: {  	[timem:s22], [sflag:s7] =	dma.local [hbm:s6], s5  }
0x9e: {  	_ =	swait.ge [sflag:s7], s5  }
0x9f: {  	s5 =	ssub.s32 $0x0, s5;
	[sflag:s7] =	ssyncset.done $0x0  }
0xa0: {  	[sflag:s7] =	ssyncadd.s32 s5;
	_ =	sdelay $0x1  }
0xa1: {  	s23 =	simm.s32 $0x1B8B  }
0xa2: {  	_ =	swait.ge [sflag:s23], $0x1  }
0xa3: {  	[sflag:s23] =	ssyncset.done $0x0  }
0xa4: {  	[sflag:s23] =	ssyncadd.s32 $0xFFFFFFFF  }
0xa5: {  	s5 =	sld [smem:$0x0]  }
0xa6: {  	s6 =	sand.u32 $0xFFFFFFFE, s1  }
0xa7: {  	p0 =	sne.s32 s1, s6  }
0xa8: {  	s6 =	sshll.u32 @p0 s6, $0xE  }
0xa9: {  	s6 =	sadd.s32 @p0 $0x11B8D, s6;
	s7 =	sshll.u32 @p0 s5, $0x11  }
0xaa: {  	s6 =	sor.u32 @p0 s7, s6  }
0xab: {  	[sflag:s6] =	ssyncadd.remote.s32 @p0 $0x1;
	_ =	sdelay $0x1  }
0xac: {  	s6 =	simm.s32 @p0 $0x1B8D  }
0xad: {  	_ =	swait.eq @p0 [sflag:s6], $0x1  }
0xae: {  	[sflag:s6] =	ssyncadd.s32 @p0 $0xFFFFFFFF  }
0xaf: {  	s7 =	sshll.u32 @!p0 s1, $0xE  }
0xb0: {  	s7 =	sor.u32 @!p0 $0x4000, s7;
	s6 =	simm.s32 @!p0 $0x1B8D  }
0xb1: {  	s5 =	sshll.u32 @!p0 s5, $0x11;
	s7 =	sadd.s32 @!p0 $0x11B8D, s7;
	_ =	swait.eq @!p0 [sflag:s6], $0x1  }
0xb2: {  	s5 =	sor.u32 @!p0 s5, s7;
	[sflag:s6] =	ssyncadd.s32 @!p0 $0xFFFFFFFF  }
0xb3: {  	s25 =	simm.s32 $0x1B8E;
	s24 =	sld [smem:$0x3FFE];
	[sflag:s5] =	ssyncadd.remote.s32 @!p0 $0x1  }
0xb4: {  	s26 =	simm.s32 $execute0_lowered;
	[smem:$0x3FD2] =	sst s25  }
0xb5: {  	s6 =	sshll.u32 s26, $0x1;
	_ =	strace $0x80000049;
	[dreg:$0x1] =	wrdreg $0xFFFFFFFF  }
0xb6: {  	s28 =	simm.s32 $_size_execute0_lowered;
	s4 =	sadd.s32 s4, s6;
	[dreg:$0x0] =	wrdreg $0x0  }
0xb7: {  	s6 =	sshll.u32 s28, $0x1;
	[dreg:$0x2] =	wrdreg s4  }
0xb8: {  	[dreg:$0x3] =	wrdreg s6  }
0xb9: {  	[dreg:$0x4] =	wrdreg $0xC0  }
0xba: {  	_ =	task [dreg:s22], $0x5FFFF  }
0xbb: {  	[dreg:$0x1] =	wrdreg $0xFFFFFFFF  }
0xbc: {  	[dreg:$0x0] =	wrdreg $0x60  }
0xbd: {  	[dreg:$0x2] =	wrdreg s24  }
0xbe: {  	[dreg:$0x3] =	wrdreg s18  }
0xbf: {  	[dreg:$0x4] =	wrdreg $0xA  }
0xc0: {  	_ =	task.clear_ibuf [dreg:s22], $0x5FFFF;
	_ =	strace $0x90000049  }
0xc1: {  	s29 =	simm.s32 $0xA;
	_ =	strace $0x8000004B  }
0xc2: {  	_ =	swait.ge [sflag:s29], $0x1  }
0xc3: {  	[sflag:s29] =	ssyncadd.s32 $0xFFFFFFFF  }
0xc4: {  	_ =	strace $0x9000004B  }
0xc5: {  	_ =	sfence  }
0xc6: {  	s30 =	sld [smem:$0x0];
	_ =	sdelay $0x2  }
0xc7: {  	s31 =	sshll.u32 s1, $0xD;
	s1 =	sshrl.u32 s1, $0x2  }
0xc8: {  	s4 =	sand.u32 $0x4000, s31;
	s1 =	sadd.s32 s1, s30  }
0xc9: {  	s0 =	sor.u32 s4, s0;
	s1 =	sshll.u32 s1, $0x11  }
0xca: {  	s0 =	sor.u32 s1, s0  }
0xcb: {  	s0 =	sadd.s32 $0x8F2B, s0  }
0xcc: {  	[sflag:s0] =	ssyncadd.remote.s32 $0x1  }
0xcd: {  	_ =	sfence.sel $0xFFFF  }
0xce: {  	[dreg:$0x0] =	wrdreg $0xFFFFFFFF;
	(pc) =	sbr.abs _section_cstart, $3  }
0xcf: {  	[dreg:$0x1] =	wrdreg $0xFFFFFFFF  }
0xd0: {  	_ =	task.clear_ibuf [dreg:s22], $0x2FFFF;
	_ =	strace $0x9FFFFFFF  }
0xd1: {  	(tm) =	ssettm $0x7FFFFFFF  }
tec
execute0_lowered:
.L_overlay_start_1:
0x0: {  	(tag) =	ssettag $0x1  }
0x1: {  	s1 =	srdreg.scid  }
0x2: {  	s0 =	stileid.u32;
	s11 =	sand.u32 $0x1, s1  }
0x3: {  	s10 =	rddreg [dreg:$0x0];
	s30 =	sshll.u32 s0, $0x8;
	s2 =	sshll.u32 s11, $0x7  }
0x4: {  	s5 =	rddreg [dreg:$0x1];
	s12 =	sor.u32 s2, s30  }
0x5: {  	s1 =	rddreg [dreg:$0x2];
	s2 =	simm.s32 $0x0;
	s6 =	sshrl.u32 s12, $0x3  }
0x6: {  	[smem:$0x7FF] =	sst s2;
	s3 =	sadd.s32 s6, s10  }
0x7: {  	_ =	strace $0x8000004A;
	s4 =	sadd.s32 $0x3400, s3;
	s3 =	simm.s32 $0x2  }
0x8: {  	[tilespmem:s2], [sflag:$0x2] =	stream.linear.gather [hbm4b:s4+s2], $0x80, $0x38;
	[tilespmem:$0x4100] =	vst v63  }
0x9: {  	_ =	swait.ge [sflag:s3], $0x80  }
0xa: {  	[sflag:s3] =	ssyncset.done $0x0  }
0xb: {  	s5 =	sadd.s32 s5, s6;
	s6 =	simm.s32 $0x80;
	[sflag:s3] =	ssyncadd.s32 $0xFFFFFF80  }
0xc: {  	[tilespmem:s6], [sflag:$0x2] =	stream.linear.gather [hbm4b:s5+s2], $0x80, $0x38;
	[tilespmem:$0x4100] =	vst v63  }
0xd: {  	_ =	swait.ge [sflag:s3], $0x80  }
0xe: {  	s8 =	simm.s32 $0x100;
	[sflag:s3] =	ssyncset.done $0x0  }
0xf: {  	s9 =	simm.s32 $0x1;
	s7 =	sadd.s32 $0xD3600, s10;
	[sflag:s3] =	ssyncadd.s32 $0xFFFFFF80  }
0x10: {  	[tilespmem:s8], [sflag:$0x1] =	stream.indirect.gather [hbm4b:s7+s6], $0x80, s2, s6, $0xb8;
	[tilespmem:$0x4100] =	vst v63  }
0x11: {  	s12 =	sshll.u32 s12, $0x4;
	_ =	swait.ge [sflag:s9], $0x4000  }
0x12: {  	s12 =	sadd.s32 s12, s10;
	[sflag:s9] =	ssyncset.done $0x0  }
0x13: {  	s11 =	ssub.s32 $0x2, s11;
	s10 =	sadd.s32 $0x3600, s12;
	[sflag:s9] =	ssyncadd.s32 $0xFFFFC000  }
0x14: {  	[hbm4b:s10+s2] =	stream.linear.scatter [tilespmem:s8], [sflag:$0x2], $0x4000, $0x38;
	[tilespmem:$0x4100] =	vst v63  }
0x15: {  	s13 =	sshrl.u32 s11, $0x1;
	_ =	swait.ge [sflag:s3], $0x4000  }
0x16: {  	s13 =	ssub.s32 s11, s13;
	[sflag:s3] =	ssyncset.done $0x0  }
0x17: {  	s31 =	smax.u32 s13, $0x1;
	[sflag:s3] =	ssyncadd.s32 $0xFFFFC000  }
0x18: {  	[tilespmem:s8], [sflag:$0x1] =	stream.indirect.gather [hbm4b:s7+s6], $0x80, s6, s6, $0xb8;
	[tilespmem:$0x4100] =	vst v63  }
0x19: {  	p0 =	sne.s32 s31, $0x1;
	_ =	swait.ge [sflag:s9], $0x4000  }
.Ltmp0:
0x1a: {  	[sflag:s9] =	ssyncset.done $0x0;
	(pc) =	sbr.rel @!p0 .LBB2_2-.Ltmp0, $4  }
0x1b: {  	s11 =	sadd.s32 $0x13600, s12;
	[sflag:s9] =	ssyncadd.s32 $0xFFFFC000  }
0x1c: {  	[hbm4b:s11+s2] =	stream.linear.scatter [tilespmem:s8], [sflag:$0x2], $0x4000, $0x38;
	[tilespmem:$0x4100] =	vst v63  }
0x1d: {  	_ =	swait.ge [sflag:s3], $0x4000  }
0x1e: {  	s12 =	sadd.s32 $0xFFFFFFFF, s31;
	[sflag:s3] =	ssyncset.done $0x0  }
.LBB2_1:
0x1f: {  	p0 =	sne.s32 s12, $0x1;
	s12 =	sadd.s32 $0xFFFFFFFF, s12;
	[sflag:s3] =	ssyncadd.s32 $0xFFFFC000  }
0x20: {  	[tilespmem:s2], [sflag:$0x2] =	stream.linear.gather [hbm4b:s4+s2], $0x80, $0x38;
	[tilespmem:$0x4100] =	vst v63  }
0x21: {  	_ =	swait.ge [sflag:s3], $0x80  }
0x22: {  	[sflag:s3] =	ssyncset.done $0x0  }
0x23: {  	[sflag:s3] =	ssyncadd.s32 $0xFFFFFF80  }
0x24: {  	[tilespmem:s6], [sflag:$0x2] =	stream.linear.gather [hbm4b:s5+s2], $0x80, $0x38;
	[tilespmem:$0x4100] =	vst v63  }
0x25: {  	_ =	swait.ge [sflag:s3], $0x80  }
0x26: {  	[sflag:s3] =	ssyncset.done $0x0  }
0x27: {  	[sflag:s3] =	ssyncadd.s32 $0xFFFFFF80  }
0x28: {  	[tilespmem:s8], [sflag:$0x1] =	stream.indirect.gather [hbm4b:s7+s6], $0x80, s2, s6, $0xb8;
	[tilespmem:$0x4100] =	vst v63  }
0x29: {  	_ =	swait.ge [sflag:s9], $0x4000  }
0x2a: {  	[sflag:s9] =	ssyncset.done $0x0  }
0x2b: {  	[sflag:s9] =	ssyncadd.s32 $0xFFFFC000  }
0x2c: {  	[hbm4b:s10+s2] =	stream.linear.scatter [tilespmem:s8], [sflag:$0x2], $0x4000, $0x38;
	[tilespmem:$0x4100] =	vst v63  }
0x2d: {  	_ =	swait.ge [sflag:s3], $0x4000  }
0x2e: {  	[sflag:s3] =	ssyncset.done $0x0  }
0x2f: {  	[sflag:s3] =	ssyncadd.s32 $0xFFFFC000  }
0x30: {  	[tilespmem:s8], [sflag:$0x1] =	stream.indirect.gather [hbm4b:s7+s6], $0x80, s6, s6, $0xb8;
	[tilespmem:$0x4100] =	vst v63  }
0x31: {  	_ =	swait.ge [sflag:s9], $0x4000  }
.Ltmp1:
0x32: {  	[sflag:s9] =	ssyncset.done $0x0;
	(pc) =	sbr.rel @p0 .LBB2_1-.Ltmp1, $4  }
0x33: {  	[sflag:s9] =	ssyncadd.s32 $0xFFFFC000  }
0x34: {  	[hbm4b:s11+s2] =	stream.linear.scatter [tilespmem:s8], [sflag:$0x2], $0x4000, $0x38;
	[tilespmem:$0x4100] =	vst v63  }
0x35: {  	_ =	swait.ge [sflag:s3], $0x4000  }
0x36: {  	[sflag:s3] =	ssyncset.done $0x0  }
.LBB2_2:
0x37: {  	[sflag:s3] =	ssyncadd.s32 $0xFFFFC000  }
0x38: {  	_ =	sfence.sel $0x180000  }
0x39: {  	[bflag:$0x0] =	sbarrier.arrive $0xFFFF  }
0x3a: {  	p0 =	sne.s32 s0, $0x0;
	_ =	strace $0x9000004A  }
0x3b: {  	s0 =	sadd.s32 @!p0 $0x100000, s1;
	[bflag:$0x2] =	sbarrier.arrive $0xFFFF  }
0x3c: {  	[sflag:s0] =	ssyncadd.tile.s32 @!p0 $0x1;
	_ =	shalt  }
.Lfunc_end2:
_tile_overlayer_lowered:
.L_overlay_start_2:
0x3d: {  	(tag) =	ssettag $0x2  }
0x3e: {  	s0 =	rddreg [dreg:$0x0];
	s2 =	stileid.u32  }
0x3f: {  	s1 =	rddreg [dreg:$0x1];
	p0 =	sne.s32 s2, $0x0  }
0x40: {  	s3 =	rddreg [dreg:$0x2];
	[bflag:$0x3] =	sbarrier.arrive $0xFFFF;
	s2 =	simm.s32 @!p0 $0x1C02  }
0x41: {  	[timem:s3], [sflag:s2] =	dma.local @!p0 [hbm:s0], s1  }
0x42: {  	s0 =	simm.s32 @!p0 $0x2  }
0x43: {  	_ =	swait.ge @!p0 [sflag:s0], s1  }
0x44: {  	s1 =	ssub.s32 @!p0 $0x0, s1;
	[sflag:s0] =	ssyncset.done @!p0 $0x0  }
0x45: {  	[sflag:s0] =	ssyncadd.s32 @!p0 s1  }
0x46: {  	[bflag:$0x3] =	sbarrier.arrive $0xFFFF  }
0x47: {  	_ =	shalt  }

// kernel: kernel.7.cloned.1.call-start
scs
__scs_entry_jumppad:
0x0: {  	(pc) =	sbr.rel $0x88, $3  }
0x1: {  	(tag) =	ssettag $0x0;
	lr =	simm.s32 $0x1  }
0x2: {  	[smem:$0x3F98] =	sst lr;
	_ =	strace $0xD0000000  }
0x3: {  	_ = 	snop  }
0x4: {  	_ = 	snop  }
0x5: {  	_ = 	snop  }
0x6: {  	_ = 	snop  }
0x7: {  	_ = 	snop  }
__scs_overlays_trampoline_lowered:
0x8: {  	[smem:$0x3FA7] =	sst s0  }
0x9: {  	[smem:$0x3FA8] =	sst s1  }
0xa: {  	[smem:$0x3FA9] =	sst s2  }
0xb: {  	[smem:$0x3FAA] =	sst s3  }
0xc: {  	[smem:$0x3FAB] =	sst s4  }
0xd: {  	[smem:$0x3FAC] =	sst s5  }
0xe: {  	[smem:$0x3FAD] =	sst s6  }
0xf: {  	[smem:$0x3FAE] =	sst s7  }
0x10: {  	[smem:$0x3FAF] =	sst s8  }
0x11: {  	[smem:$0x3FB0] =	sst s9;
	s0 =	simm.s32 @!p0 $0x0  }
0x12: {  	s1 =	sld [smem:$0x3F96];
	s0 =	simm.s32 @p0 $0x1  }
0x13: {  	[smem:$0x3FB1] =	sst s0;
	s0 =	simm.s32 @!p1 $0x0  }
0x14: {  	s2 =	sld [smem:$0x3F95];
	s0 =	simm.s32 @p1 $0x1  }
0x15: {  	[smem:$0x3FB2] =	sst s0;
	s0 =	simm.s32 @!p2 $0x0  }
0x16: {  	s3 =	sld [smem:$0x3FDB];
	s0 =	simm.s32 @p2 $0x1  }
0x17: {  	s4 =	simm.s32 $0x1BF5;
	[smem:$0x3FB4] =	sst s0  }
0x18: {  	s0 =	sld [smem:$0x3F97];
	_ =	swait.ge [sflag:s4], $0x0  }
0x19: {  	s7 =	sld [smem:$0x3F98]  }
0x1a: {  	s8 =	sadd.s32 $0xFFFFE003, lr  }
0x1b: {  	s9 =	sadd.s32 $0xFFFFFEF7, lr;
	s5 =	simm.s32 $0xFFFFFFFF;
	p2 =	slt.u32 s8, $0xFFFFF086  }
0x1c: {  	p1 =	slt.u32 s9, $0xF7A;
	s5 =	simm.s32 @!p2 $0x0  }
0x1d: {  	s5 =	simm.s32 @p1 $0x1;
	p0 =	seq.s32 s7, s2  }
0x1e: {  	s7 =	smul.u32 @!p0 $0xF7A, s2;
	p2 =	seq.s32 @!p0 s5, $0x0  }
0x1f: {  	s9 =	smul.u32 $0xF7A, s1;
	s8 =	simm.s32 @!p0 $0x1BF5;
	p2 =	por !p2, p0  }
0x20: {  	[sflag:s8] =	ssyncset.s32 @!p0 $0xFFFFF086;
	s6 =	sadd.s32 @!p0 s3, s7;
	s7 =	simm.s32 @!p0 $0x108  }
0x21: {  	s3 =	sadd.s32 s3, s9;
	s6 =	sadd.s32 @!p0 $0x88, s6;
	s7 =	simm.s32 @p2 $0x1082  }
0x22: {  	[simem:s7], [sflag:s8] =	dma.local @!p0 [hbm:s6], $0xF7A  }
0x23: {  	s9 =	sor.u32 $0xD0000000, s2;
	s6 =	simm.s32 $0x108;
	_ =	swait.ge @!p0 [sflag:s8], $0x0  }
0x24: {  	s3 =	sadd.s32 $0x88, s3;
	s6 =	simm.s32 @!p1 $0x1082;
	[sflag:s4] =	ssyncset.s32 $0xFFFFF086  }
0x25: {  	[simem:s6], [sflag:s4] =	dma.local [hbm:s3], $0xF7A  }
0x26: {  	[smem:$0x3F98] =	sst s1;
	(tag) =	ssettag s2;
	_ =	strace s9  }
0x27: {  	s1 =	sld [smem:$0x3FA8]  }
0x28: {  	s2 =	sld [smem:$0x3FA9]  }
0x29: {  	s4 =	sld [smem:$0x3FAB]  }
0x2a: {  	p0 =	seq.s32 s5, $0x0;
	s5 =	sld [smem:$0x3FAC]  }
0x2b: {  	s6 =	sld [smem:$0x3FAD]  }
0x2c: {  	s7 =	sld [smem:$0x3FAE]  }
0x2d: {  	s3 =	simm.s32 $0x108;
	s8 =	sld [smem:$0x3FAF]  }
0x2e: {  	s3 =	simm.s32 @!p0 $0x1082;
	s9 =	sld [smem:$0x3FB0]  }
0x2f: {  	lr =	sadd.s32 s0, s3;
	s0 =	sld [smem:$0x3FA7]  }
0x30: {  	s3 =	sld [smem:$0x3FAA]  }
0x31: {  	[smem:$0x3FB3] =	sst s10  }
0x32: {  	s10 =	sld [smem:$0x3FB1];
	_ =	sdelay $0x3  }
0x33: {  	p0 =	seq.s32 s10, $0x1;
	s10 =	sld [smem:$0x3FB3];
	_ =	sdelay $0x3  }
0x34: {  	[smem:$0x3FB3] =	sst s10  }
0x35: {  	s10 =	sld [smem:$0x3FB2];
	_ =	sdelay $0x3  }
0x36: {  	p1 =	seq.s32 s10, $0x1;
	s10 =	sld [smem:$0x3FB3];
	_ =	sdelay $0x3  }
0x37: {  	[smem:$0x3FB3] =	sst s10  }
0x38: {  	s10 =	sld [smem:$0x3FB4]  }
0x39: {  	_ = 	snop;
	(pc) =	sbr.ind lr, $3  }
0x3a: {  	_ = 	snop  }
0x3b: {  	_ = 	snop  }
0x3c: {  	p2 =	seq.s32 s10, $0x1;
	s10 =	sld [smem:$0x3FB3]  }
0x3d: {  	_ =	shalt  }
0x3e: {  	_ =	shalt  }
0x3f: {  	_ =	shalt  }
0x40: {  	_ =	shalt  }
0x41: {  	_ =	shalt  }
0x42: {  	_ =	shalt  }
0x43: {  	_ =	shalt  }
0x44: {  	_ =	shalt  }
0x45: {  	_ =	shalt  }
0x46: {  	_ =	shalt  }
0x47: {  	_ =	shalt  }
0x48: {  	_ =	shalt  }
0x49: {  	_ =	shalt  }
0x4a: {  	_ =	shalt  }
0x4b: {  	_ =	shalt  }
0x4c: {  	_ =	shalt  }
0x4d: {  	_ =	shalt  }
0x4e: {  	_ =	shalt  }
0x4f: {  	_ =	shalt  }
0x50: {  	_ =	shalt  }
0x51: {  	_ =	shalt  }
0x52: {  	_ =	shalt  }
0x53: {  	_ =	shalt  }
0x54: {  	_ =	shalt  }
0x55: {  	_ =	shalt  }
0x56: {  	_ =	shalt  }
0x57: {  	_ =	shalt  }
0x58: {  	_ =	shalt  }
0x59: {  	_ =	shalt  }
0x5a: {  	_ =	shalt  }
0x5b: {  	_ =	shalt  }
0x5c: {  	_ =	shalt  }
0x5d: {  	_ =	shalt  }
0x5e: {  	_ =	shalt  }
0x5f: {  	_ =	shalt  }
0x60: {  	_ =	shalt  }
0x61: {  	_ =	shalt  }
0x62: {  	_ =	shalt  }
0x63: {  	_ =	shalt  }
0x64: {  	_ =	shalt  }
0x65: {  	_ =	shalt  }
0x66: {  	_ =	shalt  }
0x67: {  	_ =	shalt  }
0x68: {  	_ =	shalt  }
0x69: {  	_ =	shalt  }
0x6a: {  	_ =	shalt  }
0x6b: {  	_ =	shalt  }
0x6c: {  	_ =	shalt  }
0x6d: {  	_ =	shalt  }
0x6e: {  	_ =	shalt  }
0x6f: {  	_ =	shalt  }
0x70: {  	_ =	shalt  }
0x71: {  	_ =	shalt  }
0x72: {  	_ =	shalt  }
0x73: {  	_ =	shalt  }
0x74: {  	_ =	shalt  }
0x75: {  	_ =	shalt  }
0x76: {  	_ =	shalt  }
0x77: {  	_ =	shalt  }
0x78: {  	_ =	shalt  }
0x79: {  	_ =	shalt  }
0x7a: {  	_ =	shalt  }
0x7b: {  	_ =	shalt  }
0x7c: {  	_ =	shalt  }
0x7d: {  	_ =	shalt  }
0x7e: {  	_ =	shalt  }
0x7f: {  	_ =	shalt  }
0x80: {  	_ =	shalt  }
0x81: {  	_ =	shalt  }
0x82: {  	_ =	shalt  }
0x83: {  	_ =	shalt  }
0x84: {  	_ =	shalt  }
0x85: {  	_ =	shalt  }
0x86: {  	_ =	shalt  }
0x87: {  	_ =	shalt  }
.Lfunc_end0:
.L_simem_size_0:
called_computation_lowered:
.L_overlay_start_0:
0x88: {  	s2 =	sld [smem:$0x3FD9]  }
0x89: {  	s3 =	sld [smem:$0x3FFE];
	_ =	sdelay $0x1  }
0x8a: {  	s1 =	srdreg.scid  }
0x8b: {  	s0 =	sand.u32 $0x1, s1  }
0x8c: {  	s17 =	sshll.u32 s0, $0xA;
	s2 =	sadd.s32 s3, s2  }
0x8d: {  	s2 =	sadd.s32 s2, s17  }
0x8e: {  	[smem:$0x3FBF] =	sst s2  }
0x8f: {  	_ = 	snop  }
0x90: {  	s2 =	sld [smem:$0x3FC9]  }
0x91: {  	s18 =	sld [smem:$0x3FD0];
	(tm) =	ssettm $0x1  }
0x92: {  	s4 =	sld [smem:$0x3FFB];
	_ =	sdelay $0x3  }
0x93: {  	_ =	strace s4  }
0x94: {  	s4 =	sld [smem:$0x3FFC];
	_ =	sdelay $0x3  }
0x95: {  	_ =	strace s4  }
0x96: {  	s4 =	sld [smem:$0x3FFD];
	_ =	sdelay $0x3  }
0x97: {  	_ =	strace s4  }
0x98: {  	_ =	strace $0x8FFFFFFF  }
0x99: {  	s19 =	sld [smem:$0x3FDB];
	_ =	sdelay $0x1  }
0x9a: {  	s5 =	simm.s32 $_scs_section_size  }
0x9b: {  	s6 =	simm.s32 $_size__tile_overlayer_lowered;
	s7 =	simm.s32 $_tile_overlayer_lowered  }
0x9c: {  	s22 =	simm.s32 $0x1BFF;
	s21 =	sshll.u32 s7, $0x1;
	s4 =	sadd.s32 s5, s19  }
0x9d: {  	s8 =	simm.s32 $0x0;
	s20 =	sshll.u32 s6, $0x1;
	s6 =	sadd.s32 s21, s4  }
0x9e: {  	[timem:s8], [sflag:s22] =	dma.local [hbm:s6], s20  }
0x9f: {  	_ =	swait.ge [sflag:s22], s20  }
0xa0: {  	s5 =	ssub.s32 $0x0, s20;
	[sflag:s22] =	ssyncset.done $0x0  }
0xa1: {  	[sflag:s22] =	ssyncadd.s32 s5;
	_ =	sdelay $0x1  }
0xa2: {  	s23 =	simm.s32 $0x1B8B  }
0xa3: {  	_ =	swait.ge [sflag:s23], $0x1  }
0xa4: {  	[sflag:s23] =	ssyncset.done $0x0  }
0xa5: {  	s25 =	simm.s32 $0x1B8E;
	s24 =	sld [smem:$0x3FFE];
	[sflag:s23] =	ssyncadd.s32 $0xFFFFFFFF  }
0xa6: {  	s26 =	simm.s32 $execute0_lowered;
	[smem:$0x3FD2] =	sst s25  }
0xa7: {  	s6 =	sshll.u32 s26, $0x1;
	_ =	strace $0x80000046;
	[dreg:$0x1] =	wrdreg $0xFFFFFFFF  }
0xa8: {  	s28 =	simm.s32 $_size_execute0_lowered;
	s4 =	sadd.s32 s4, s6;
	[dreg:$0x0] =	wrdreg $0x0  }
0xa9: {  	s6 =	sshll.u32 s28, $0x1;
	[dreg:$0x2] =	wrdreg s4  }
0xaa: {  	[dreg:$0x3] =	wrdreg s6  }
0xab: {  	[dreg:$0x4] =	wrdreg $0xC0  }
0xac: {  	_ =	task [dreg:s8], $0x5FFFF  }
0xad: {  	[dreg:$0x1] =	wrdreg $0xFFFFFFFF  }
0xae: {  	[dreg:$0x0] =	wrdreg $0x60  }
0xaf: {  	[dreg:$0x2] =	wrdreg s24  }
0xb0: {  	[dreg:$0x3] =	wrdreg s2  }
0xb1: {  	[dreg:$0x4] =	wrdreg s18  }
0xb2: {  	[dreg:$0x5] =	wrdreg $0x9  }
0xb3: {  	_ =	task.clear_ibuf [dreg:s8], $0x6FFFF;
	_ =	strace $0x90000046  }
0xb4: {  	s29 =	simm.s32 $0x9;
	_ =	strace $0x80000048  }
0xb5: {  	_ =	swait.ge [sflag:s29], $0x1  }
0xb6: {  	[sflag:s29] =	ssyncadd.s32 $0xFFFFFFFF  }
0xb7: {  	_ =	strace $0x90000048  }
0xb8: {  	_ =	sfence  }
0xb9: {  	s30 =	sld [smem:$0x0];
	_ =	sdelay $0x2  }
0xba: {  	s31 =	sshll.u32 s1, $0xD;
	s1 =	sshrl.u32 s1, $0x2  }
0xbb: {  	s3 =	sand.u32 $0x4000, s31;
	s1 =	sadd.s32 s1, s30  }
0xbc: {  	s0 =	sor.u32 s3, s0;
	s1 =	sshll.u32 s1, $0x11  }
0xbd: {  	s0 =	sor.u32 s1, s0  }
0xbe: {  	s0 =	sadd.s32 $0x8F2B, s0  }
0xbf: {  	[sflag:s0] =	ssyncadd.remote.s32 $0x1  }
0xc0: {  	_ =	sfence.sel $0xFFFF  }
0xc1: {  	[dreg:$0x0] =	wrdreg $0xFFFFFFFF;
	(pc) =	sbr.abs _section_cstart, $3  }
0xc2: {  	[dreg:$0x1] =	wrdreg $0xFFFFFFFF  }
0xc3: {  	_ =	task.clear_ibuf [dreg:s8], $0x2FFFF;
	_ =	strace $0x9FFFFFFF  }
0xc4: {  	(tm) =	ssettm $0x7FFFFFFF  }
0xc5: {  	_ =	shalt  }
tec
execute0_lowered:
.L_overlay_start_1:
0x0: {  	(tag) =	ssettag $0x1  }
0x1: {  	s1 =	srdreg.scid  }
0x2: {  	s11 =	rddreg [dreg:$0x0];
	s0 =	stileid.u32;
	s15 =	sand.u32 $0x1, s1  }
0x3: {  	s2 =	rddreg [dreg:$0x1];
	s30 =	sshll.u32 s0, $0x8;
	s3 =	sshll.u32 s15, $0x7  }
0x4: {  	s6 =	rddreg [dreg:$0x2];
	s12 =	sor.u32 s3, s30  }
0x5: {  	s1 =	rddreg [dreg:$0x3];
	s3 =	simm.s32 $0x0;
	s7 =	sshrl.u32 s12, $0x3  }
0x6: {  	[smem:$0x7FF] =	sst s3;
	s4 =	sadd.s32 s7, s11  }
0x7: {  	_ =	strace $0x80000047;
	s5 =	sadd.s32 $0x3400, s4;
	s4 =	simm.s32 $0x2  }
0x8: {  	[tilespmem:s3], [sflag:$0x2] =	stream.linear.gather [hbm4b:s5+s3], $0x80, $0x38;
	[tilespmem:$0x8100] =	vst v63  }
0x9: {  	_ =	swait.ge [sflag:s4], $0x80  }
0xa: {  	[sflag:s4] =	ssyncset.done $0x0  }
0xb: {  	s6 =	sadd.s32 s6, s7;
	s7 =	simm.s32 $0x80;
	[sflag:s4] =	ssyncadd.s32 $0xFFFFFF80  }
0xc: {  	[tilespmem:s7], [sflag:$0x2] =	stream.linear.gather [hbm4b:s6+s3], $0x80, $0x38;
	[tilespmem:$0x8100] =	vst v63  }
0xd: {  	_ =	swait.ge [sflag:s4], $0x80  }
0xe: {  	s9 =	simm.s32 $0x100;
	[sflag:s4] =	ssyncset.done $0x0  }
0xf: {  	s10 =	simm.s32 $0x1;
	s8 =	sadd.s32 $0x83600, s11;
	[sflag:s4] =	ssyncadd.s32 $0xFFFFFF80  }
0x10: {  	[tilespmem:s9], [sflag:$0x1] =	stream.indirect.gather [hbm4b:s8+s7], $0x80, s3, s7, $0xb8;
	[tilespmem:$0x8100] =	vst v63  }
0x11: {  	s12 =	sshll.u32 s12, $0x4;
	_ =	swait.ge [sflag:s10], $0x4000  }
0x12: {  	s16 =	sadd.s32 s12, s11;
	[sflag:s10] =	ssyncset.done $0x0  }
0x13: {  	s11 =	sadd.s32 $0xB3600, s16;
	[sflag:s10] =	ssyncadd.s32 $0xFFFFC000  }
0x14: {  	[hbm4b:s11+s3] =	stream.linear.scatter [tilespmem:s9], [sflag:$0x2], $0x4000, $0x38;
	[tilespmem:$0x8100] =	vst v63  }
0x15: {  	_ =	swait.ge [sflag:s4], $0x4000  }
0x16: {  	[sflag:s4] =	ssyncset.done $0x0  }
0x17: {  	[sflag:s4] =	ssyncadd.s32 $0xFFFFC000  }
0x18: {  	[tilespmem:s9], [sflag:$0x1] =	stream.indirect.gather [hbm4b:s8+s7], $0x80, s7, s7, $0xb8;
	[tilespmem:$0x8100] =	vst v63  }
0x19: {  	_ =	swait.ge [sflag:s10], $0x4000  }
0x1a: {  	[sflag:s10] =	ssyncset.done $0x0  }
0x1b: {  	s12 =	sadd.s32 $0xC3600, s16;
	[sflag:s10] =	ssyncadd.s32 $0xFFFFC000  }
0x1c: {  	[hbm4b:s12+s3] =	stream.linear.scatter [tilespmem:s9], [sflag:$0x2], $0x4000, $0x38;
	[tilespmem:$0x8100] =	vst v63  }
0x1d: {  	_ =	swait.ge [sflag:s4], $0x4000  }
0x1e: {  	[sflag:s4] =	ssyncset.done $0x0  }
0x1f: {  	s13 =	simm.s32 $0x4100;
	[sflag:s4] =	ssyncadd.s32 $0xFFFFC000  }
0x20: {  	[tilespmem:s13], [sflag:$0x1] =	stream.indirect.gather [hbm4b:s2+s7], $0x80, s3, s7, $0xb8;
	[tilespmem:$0x8100] =	vst v63  }
0x21: {  	_ =	swait.ge [sflag:s10], $0x4000  }
0x22: {  	[sflag:s10] =	ssyncset.done $0x0  }
0x23: {  	s15 =	ssub.s32 $0x2, s15;
	s14 =	sadd.s32 $0x93600, s16;
	[sflag:s10] =	ssyncadd.s32 $0xFFFFC000  }
0x24: {  	[hbm4b:s14+s3] =	stream.linear.scatter [tilespmem:s13], [sflag:$0x2], $0x4000, $0x38;
	[tilespmem:$0x8100] =	vst v63  }
0x25: {  	s17 =	sshrl.u32 s15, $0x1;
	_ =	swait.ge [sflag:s4], $0x4000  }
0x26: {  	s17 =	ssub.s32 s15, s17;
	[sflag:s4] =	ssyncset.done $0x0  }
0x27: {  	s31 =	smax.u32 s17, $0x1;
	[sflag:s4] =	ssyncadd.s32 $0xFFFFC000  }
0x28: {  	[tilespmem:s13], [sflag:$0x1] =	stream.indirect.gather [hbm4b:s2+s7], $0x80, s7, s7, $0xb8;
	[tilespmem:$0x8100] =	vst v63  }
0x29: {  	p0 =	sne.s32 s31, $0x1;
	_ =	swait.ge [sflag:s10], $0x4000  }
.Ltmp0:
0x2a: {  	[sflag:s10] =	ssyncset.done $0x0;
	(pc) =	sbr.rel @!p0 .LBB2_2-.Ltmp0, $4  }
0x2b: {  	s15 =	sadd.s32 $0xA3600, s16;
	[sflag:s10] =	ssyncadd.s32 $0xFFFFC000  }
0x2c: {  	[hbm4b:s15+s3] =	stream.linear.scatter [tilespmem:s13], [sflag:$0x2], $0x4000, $0x38;
	[tilespmem:$0x8100] =	vst v63  }
0x2d: {  	_ =	swait.ge [sflag:s4], $0x4000  }
0x2e: {  	s16 =	sadd.s32 $0xFFFFFFFF, s31;
	[sflag:s4] =	ssyncset.done $0x0  }
.LBB2_1:
0x2f: {  	p0 =	sne.s32 s16, $0x1;
	s16 =	sadd.s32 $0xFFFFFFFF, s16;
	[sflag:s4] =	ssyncadd.s32 $0xFFFFC000  }
0x30: {  	[tilespmem:s3], [sflag:$0x2] =	stream.linear.gather [hbm4b:s5+s3], $0x80, $0x38;
	[tilespmem:$0x8100] =	vst v63  }
0x31: {  	_ =	swait.ge [sflag:s4], $0x80  }
0x32: {  	[sflag:s4] =	ssyncset.done $0x0  }
0x33: {  	[sflag:s4] =	ssyncadd.s32 $0xFFFFFF80  }
0x34: {  	[tilespmem:s7], [sflag:$0x2] =	stream.linear.gather [hbm4b:s6+s3], $0x80, $0x38;
	[tilespmem:$0x8100] =	vst v63  }
0x35: {  	_ =	swait.ge [sflag:s4], $0x80  }
0x36: {  	[sflag:s4] =	ssyncset.done $0x0  }
0x37: {  	[sflag:s4] =	ssyncadd.s32 $0xFFFFFF80  }
0x38: {  	[tilespmem:s9], [sflag:$0x1] =	stream.indirect.gather [hbm4b:s8+s7], $0x80, s3, s7, $0xb8;
	[tilespmem:$0x8100] =	vst v63  }
0x39: {  	_ =	swait.ge [sflag:s10], $0x4000  }
0x3a: {  	[sflag:s10] =	ssyncset.done $0x0  }
0x3b: {  	[sflag:s10] =	ssyncadd.s32 $0xFFFFC000  }
0x3c: {  	[hbm4b:s11+s3] =	stream.linear.scatter [tilespmem:s9], [sflag:$0x2], $0x4000, $0x38;
	[tilespmem:$0x8100] =	vst v63  }
0x3d: {  	_ =	swait.ge [sflag:s4], $0x4000  }
0x3e: {  	[sflag:s4] =	ssyncset.done $0x0  }
0x3f: {  	[sflag:s4] =	ssyncadd.s32 $0xFFFFC000  }
0x40: {  	[tilespmem:s9], [sflag:$0x1] =	stream.indirect.gather [hbm4b:s8+s7], $0x80, s7, s7, $0xb8;
	[tilespmem:$0x8100] =	vst v63  }
0x41: {  	_ =	swait.ge [sflag:s10], $0x4000  }
0x42: {  	[sflag:s10] =	ssyncset.done $0x0  }
0x43: {  	[sflag:s10] =	ssyncadd.s32 $0xFFFFC000  }
0x44: {  	[hbm4b:s12+s3] =	stream.linear.scatter [tilespmem:s9], [sflag:$0x2], $0x4000, $0x38;
	[tilespmem:$0x8100] =	vst v63  }
0x45: {  	_ =	swait.ge [sflag:s4], $0x4000  }
0x46: {  	[sflag:s4] =	ssyncset.done $0x0  }
0x47: {  	[sflag:s4] =	ssyncadd.s32 $0xFFFFC000  }
0x48: {  	[tilespmem:s13], [sflag:$0x1] =	stream.indirect.gather [hbm4b:s2+s7], $0x80, s3, s7, $0xb8;
	[tilespmem:$0x8100] =	vst v63  }
0x49: {  	_ =	swait.ge [sflag:s10], $0x4000  }
0x4a: {  	[sflag:s10] =	ssyncset.done $0x0  }
0x4b: {  	[sflag:s10] =	ssyncadd.s32 $0xFFFFC000  }
0x4c: {  	[hbm4b:s14+s3] =	stream.linear.scatter [tilespmem:s13], [sflag:$0x2], $0x4000, $0x38;
	[tilespmem:$0x8100] =	vst v63  }
0x4d: {  	_ =	swait.ge [sflag:s4], $0x4000  }
0x4e: {  	[sflag:s4] =	ssyncset.done $0x0  }
0x4f: {  	[sflag:s4] =	ssyncadd.s32 $0xFFFFC000  }
0x50: {  	[tilespmem:s13], [sflag:$0x1] =	stream.indirect.gather [hbm4b:s2+s7], $0x80, s7, s7, $0xb8;
	[tilespmem:$0x8100] =	vst v63  }
0x51: {  	_ =	swait.ge [sflag:s10], $0x4000  }
.Ltmp1:
0x52: {  	[sflag:s10] =	ssyncset.done $0x0;
	(pc) =	sbr.rel @p0 .LBB2_1-.Ltmp1, $4  }
0x53: {  	[sflag:s10] =	ssyncadd.s32 $0xFFFFC000  }
0x54: {  	[hbm4b:s15+s3] =	stream.linear.scatter [tilespmem:s13], [sflag:$0x2], $0x4000, $0x38;
	[tilespmem:$0x8100] =	vst v63  }
0x55: {  	_ =	swait.ge [sflag:s4], $0x4000  }
0x56: {  	[sflag:s4] =	ssyncset.done $0x0  }
.LBB2_2:
0x57: {  	[sflag:s4] =	ssyncadd.s32 $0xFFFFC000  }
0x58: {  	_ =	sfence.sel $0x180000  }
0x59: {  	[bflag:$0x0] =	sbarrier.arrive $0xFFFF  }
0x5a: {  	p0 =	sne.s32 s0, $0x0;
	_ =	strace $0x90000047  }
0x5b: {  	s0 =	sadd.s32 @!p0 $0x100000, s1;
	[bflag:$0x2] =	sbarrier.arrive $0xFFFF  }
0x5c: {  	[sflag:s0] =	ssyncadd.tile.s32 @!p0 $0x1;
	_ =	shalt  }
.Lfunc_end2:
_tile_overlayer_lowered:
.L_overlay_start_2:
0x5d: {  	(tag) =	ssettag $0x2  }
0x5e: {  	s0 =	rddreg [dreg:$0x0];
	s2 =	stileid.u32  }
0x5f: {  	s1 =	rddreg [dreg:$0x1];
	p0 =	sne.s32 s2, $0x0  }
0x60: {  	s3 =	rddreg [dreg:$0x2];
	[bflag:$0x3] =	sbarrier.arrive $0xFFFF;
	s2 =	simm.s32 @!p0 $0x1C02  }
0x61: {  	[timem:s3], [sflag:s2] =	dma.local @!p0 [hbm:s0], s1  }
0x62: {  	s0 =	simm.s32 @!p0 $0x2  }
0x63: {  	_ =	swait.ge @!p0 [sflag:s0], s1  }
0x64: {  	s1 =	ssub.s32 @!p0 $0x0, s1;
	[sflag:s0] =	ssyncset.done @!p0 $0x0  }
0x65: {  	[sflag:s0] =	ssyncadd.s32 @!p0 s1  }
0x66: {  	[bflag:$0x3] =	sbarrier.arrive $0xFFFF  }
0x67: {  	_ =	shalt  }

</sc_bundles>
